<compile_context>
chip_gen: v7x
topology: tpu7x:2x2x1
jax: 0.10.2.dev20260603
libtpu: 0.0.44.dev20260713+nightly
codegen_flags: <defaults>
</compile_context>

<pallas_src>
import functools

import jax
import jax.numpy as jnp
from jax import lax
from jax.experimental import pallas as pl
from jax.experimental.pallas import tpu as pltpu
from jax.experimental.pallas import tpu_sc as plsc

VOCAB_SIZE = 8192
EMB = 8192
BATCH = 16
SEQ = 1024
NTOK = BATCH * SEQ
NCORES = 2
NSUB = 16
NWORK = NCORES * NSUB
PER_W = NTOK // NWORK
CHUNK = 4
NBUF = 3
NCHUNK = PER_W // CHUNK
NFULL = (NCHUNK // NBUF) * NBUF


def _body(idx_hbm, table_hbm, out_hbm, idx_v, rows_v, gsem, wsem):
    wid = lax.axis_index("s") * NCORES + lax.axis_index("c")
    bi = wid // (NWORK // BATCH)
    t0 = (wid % (NWORK // BATCH)) * PER_W
    pltpu.sync_copy(idx_hbm.at[wid], idx_v)

    def gather(g, b):
        return pltpu.make_async_copy(
            table_hbm.at[idx_v.at[g]], rows_v.at[b], gsem.at[b])

    def write(g, b):
        return pltpu.make_async_copy(
            rows_v.at[b], out_hbm.at[bi, pl.ds(t0 + g * CHUNK, CHUNK)],
            wsem.at[b])

    for b in range(NBUF):
        gather(b, b).start()

    @pl.loop(0, NFULL, step=NBUF)
    def _(go):
        for b in range(NBUF):
            g = go + b
            gather(g, b).wait()
            write(g, b).start()

            @pl.when(g + NBUF < NCHUNK)
            def _():
                write(g, b).wait()
                gather(g + NBUF, b).start()

    for g in range(NFULL, NCHUNK):
        gather(g, g % NBUF).wait()
        write(g, g % NBUF).start()

    for g in range(NCHUNK - NBUF, NCHUNK):
        write(g, g % NBUF).wait()


_gather_call = functools.partial(
    pl.kernel,
    out_type=jax.ShapeDtypeStruct((BATCH, SEQ, EMB), jnp.float32),
    mesh=plsc.VectorSubcoreMesh(core_axis_name="c", subcore_axis_name="s"),
    scratch_types=[
        pltpu.VMEM((NCHUNK, CHUNK), jnp.int32),
        pltpu.VMEM((NBUF, CHUNK, EMB), jnp.float32),
        pltpu.SemaphoreType.DMA((NBUF,)),
        pltpu.SemaphoreType.DMA((NBUF,)),
    ],
)(_body)


def kernel(inputs, table):
    idx = inputs.reshape(NWORK, NCHUNK, CHUNK).astype(jnp.int32)
    return _gather_call(idx, table)

# --- scband reference (transcript-rebuilt; emitter-appended) ---
"""Pipeline reference for scband-bigram-language-model-24352464569937 (READ-ONLY COPY).

The authoritative reference and input builder live on the scoring server;
editing this copy changes nothing except your own understanding.
"""

import jax, jax.numpy as jnp
import numpy as np

VOCAB = 8192
B = 16
T = 1024

def setup_inputs(seed: int = 0) -> dict:
    key = jax.random.key(seed)
    k1, k2 = jax.random.split(key)
    inputs = jax.random.randint(k1, (B, T), 0, VOCAB, dtype=jnp.int64 if jax.config.read('jax_enable_x64') else jnp.int32)
    table = jax.random.normal(k2, (VOCAB, VOCAB), dtype=jnp.float32) * 0.02
    return {"inputs": inputs, "table": table}

def reference(inputs, table):
    # BigramLanguageModel.call with targets=None:
    # logits = token_embedding_table(inputs); loss = None
    logits = jnp.take(table, inputs, axis=0)  # [B, T, VOCAB]
    return logits

if __name__ == "__main__":
    import jax
    _d = setup_inputs()
    print(jax.jit(kernel)(*tuple(_d.values())))

</pallas_src>

<mosaic_0001>
#map = affine_map<(d0, d1) -> (0, 0, 0)>
#map1 = affine_map<(d0, d1) -> (0, 0)>
module attributes {stable_mosaic.version = 14 : i64} {
  func.func @_body(%arg0: i32, %arg1: i32, %arg2: memref<32x128x4xi32, #tpu.memory_space<hbm>>, %arg3: memref<8192x8192xf32, #tpu.memory_space<hbm>>, %arg4: memref<16x1024x8192xf32, #tpu.memory_space<hbm>>, %arg5: memref<128x4xi32, #tpu.memory_space<vmem>>, %arg6: memref<3x4x8192xf32, #tpu.memory_space<vmem>>, %arg7: memref<3x!tpu.dma_semaphore, #tpu.memory_space<semaphore_mem>>, %arg8: memref<3x!tpu.dma_semaphore, #tpu.memory_space<semaphore_mem>>) attributes {dimension_semantics = [#tpu.dimension_semantics<core_parallel>, #tpu.dimension_semantics<subcore_parallel>], iteration_bounds = array<i64: 2, 16>, scalar_prefetch = 0 : i64, scratch_operands = 4 : i64, tpu.core_type = #tpu.core_type<sc_vector_subcore>, window_params = [{transform_indices = #map}, {transform_indices = #map1}, {transform_indices = #map}]} {
    %mul3A = arith.constant 2 : i32
    %mul3A_0 = arith.muli %arg1, %mul3A : i32
    %add3A = arith.addi %mul3A_0, %arg0 : i32
    %jit3A = arith.constant 2 : i32
    %div3A = arith.divsi %add3A, %jit3A : i32
    %sign3A = arith.constant 0 : i32
    %sign3A_1 = arith.cmpi sgt, %add3A, %sign3A : i32
    %sign3A_2 = arith.extui %sign3A_1 : i1 to i32
    %sign3A_3 = arith.constant 0 : i32
    %sign3A_4 = arith.cmpi slt, %add3A, %sign3A_3 : i32
    %sign3A_5 = arith.extui %sign3A_4 : i1 to i32
    %sign3A_6 = arith.subi %sign3A_2, %sign3A_5 : i32
    %sign3A_7 = arith.constant 0 : i32
    %sign3A_8 = arith.cmpi sgt, %jit3A, %sign3A_7 : i32
    %sign3A_9 = arith.extui %sign3A_8 : i1 to i32
    %sign3A_10 = arith.constant 0 : i32
    %sign3A_11 = arith.cmpi slt, %jit3A, %sign3A_10 : i32
    %sign3A_12 = arith.extui %sign3A_11 : i1 to i32
    %sign3A_13 = arith.subi %sign3A_9, %sign3A_12 : i32
    %ne3A = arith.cmpi ne, %sign3A_6, %sign3A_13 : i32
    %rem3A = arith.remsi %add3A, %jit3A : i32
    %ne3A_14 = arith.constant 0 : i32
    %ne3A_15 = arith.cmpi ne, %rem3A, %ne3A_14 : i32
    %and3A = arith.andi %ne3A, %ne3A_15 : i1
    %sub3A = arith.constant 1 : i32
    %sub3A_16 = arith.subi %div3A, %sub3A : i32
    %select_n3A = arith.select %and3A, %sub3A_16, %div3A : i32
    %jit3A_17 = arith.constant 2 : i32
    %eq3A = arith.constant 0 : i32
    %eq3A_18 = arith.cmpi eq, %jit3A_17, %eq3A : i32
    %jit3A_19 = arith.constant 1 : i32
    %select_n3A_20 = arith.select %eq3A_18, %jit3A_19, %jit3A_17 : i32
    %rem3A_21 = arith.remsi %add3A, %select_n3A_20 : i32
    %ne3A_22 = arith.constant 0 : i32
    %ne3A_23 = arith.cmpi ne, %rem3A_21, %ne3A_22 : i32
    %lt3A = arith.constant 0 : i32
    %lt3A_24 = arith.cmpi slt, %rem3A_21, %lt3A : i32
    %lt3A_25 = arith.constant 0 : i32
    %lt3A_26 = arith.cmpi slt, %select_n3A_20, %lt3A_25 : i32
    %ne3A_27 = arith.xori %lt3A_24, %lt3A_26 : i1
    %and3A_28 = arith.andi %ne3A_27, %ne3A_23 : i1
    %add3A_29 = arith.addi %rem3A_21, %select_n3A_20 : i32
    %select_n3A_30 = arith.select %and3A_28, %add3A_29, %rem3A_21 : i32
    %mul3A_31 = arith.constant 512 : i32
    %mul3A_32 = arith.muli %select_n3A_30, %mul3A_31 : i32
    "tpu.region"() ({
      %run_scoped3A = tpu.sem_alloc : memref<!tpu.dma_semaphore, #tpu.memory_space<semaphore_mem>>
      %dma_start3A_210 = arith.constant 0 : i32
      %dma_start3A_211 = arith.constant 0 : i32
      %dma_start3A_212 = tpu.memref_slice %arg2[%add3A, %dma_start3A_210, %dma_start3A_211] : memref<32x128x4xi32, #tpu.memory_space<hbm>> -> memref<1x128x4xi32, #tpu.memory_space<hbm>>
      %dma_start3A_213 = tpu.memref_squeeze %dma_start3A_212 : memref<1x128x4xi32, #tpu.memory_space<hbm>> -> memref<128x4xi32, #tpu.memory_space<hbm>>
      %dma_start3A_214 = arith.constant 0 : i32
      %dma_start3A_215 = arith.constant 0 : i32
      %dma_start3A_216 = tpu.memref_slice %arg2[%add3A, %dma_start3A_214, %dma_start3A_215] : memref<32x128x4xi32, #tpu.memory_space<hbm>> -> memref<1x128x4xi32, #tpu.memory_space<hbm>>
      %dma_start3A_217 = tpu.memref_squeeze %dma_start3A_216 : memref<1x128x4xi32, #tpu.memory_space<hbm>> -> memref<128x4xi32, #tpu.memory_space<hbm>>
      tpu.enqueue_dma source(%dma_start3A_217 : memref<128x4xi32, #tpu.memory_space<hbm>>) target(%arg5 : memref<128x4xi32, #tpu.memory_space<vmem>>) target_semaphore(%run_scoped3A : memref<!tpu.dma_semaphore, #tpu.memory_space<semaphore_mem>>)
      %dma_wait3A_218 = arith.constant 0 : i32
      %dma_wait3A_219 = arith.constant 0 : i32
      %dma_wait3A_220 = tpu.memref_slice %arg2[%add3A, %dma_wait3A_218, %dma_wait3A_219] : memref<32x128x4xi32, #tpu.memory_space<hbm>> -> memref<1x128x4xi32, #tpu.memory_space<hbm>>
      %dma_wait3A_221 = tpu.memref_squeeze %dma_wait3A_220 : memref<1x128x4xi32, #tpu.memory_space<hbm>> -> memref<128x4xi32, #tpu.memory_space<hbm>>
      %dma_wait3A_222 = arith.constant 0 : i32
      %dma_wait3A_223 = arith.constant 0 : i32
      %dma_wait3A_224 = tpu.memref_slice %arg2[%add3A, %dma_wait3A_222, %dma_wait3A_223] : memref<32x128x4xi32, #tpu.memory_space<hbm>> -> memref<1x128x4xi32, #tpu.memory_space<hbm>>
      %dma_wait3A_225 = tpu.memref_squeeze %dma_wait3A_224 : memref<1x128x4xi32, #tpu.memory_space<hbm>> -> memref<128x4xi32, #tpu.memory_space<hbm>>
      tpu.wait_dma2 semaphore(%run_scoped3A : memref<!tpu.dma_semaphore, #tpu.memory_space<semaphore_mem>>) src(%dma_wait3A_225 : memref<128x4xi32, #tpu.memory_space<hbm>>) dst(%arg5 : memref<128x4xi32, #tpu.memory_space<vmem>>)
      tpu.yield
    }) : () -> ()
    %dma_start3A = arith.constant 0 : i32
    %dma_start3A_33 = arith.constant 0 : i32
    %dma_start3A_34 = arith.constant 0 : i32
    %dma_start3A_35 = arith.constant 0 : i32
    %dma_start3A_36 = arith.constant 0 : i32
    %dma_start3A_37 = tpu.memref_slice %arg6[%dma_start3A_33, %dma_start3A_35, %dma_start3A_36] : memref<3x4x8192xf32, #tpu.memory_space<vmem>> -> memref<1x4x8192xf32, #tpu.memory_space<vmem>>
    %dma_start3A_38 = tpu.memref_squeeze %dma_start3A_37 : memref<1x4x8192xf32, #tpu.memory_space<vmem>> -> memref<4x8192xf32, #tpu.memory_space<vmem>>
    %dma_start3A_39 = arith.constant 0 : i32
    %dma_start3A_40 = tpu.memref_slice %arg5[%dma_start3A, %dma_start3A_39] : memref<128x4xi32, #tpu.memory_space<vmem>> -> memref<1x4xi32, #tpu.memory_space<vmem>>
    %dma_start3A_41 = tpu.memref_squeeze %dma_start3A_40 : memref<1x4xi32, #tpu.memory_space<vmem>> -> memref<4xi32, #tpu.memory_space<vmem>>
    %dma_start3A_42 = arith.constant 0 : i32
    %dma_start3A_43 = arith.constant 0 : i32
    %dma_start3A_44 = tpu.memref_slice %arg3[%dma_start3A_42, %dma_start3A_43] : memref<8192x8192xf32, #tpu.memory_space<hbm>> -> memref<8192x8192xf32, #tpu.memory_space<hbm>>
    %dma_start3A_45 = tpu.memref_slice %arg7[%dma_start3A_34] : memref<3x!tpu.dma_semaphore, #tpu.memory_space<semaphore_mem>> -> memref<1x!tpu.dma_semaphore, #tpu.memory_space<semaphore_mem>>
    %dma_start3A_46 = tpu.memref_squeeze %dma_start3A_45 : memref<1x!tpu.dma_semaphore, #tpu.memory_space<semaphore_mem>> -> memref<!tpu.dma_semaphore, #tpu.memory_space<semaphore_mem>>
    tpu.enqueue_indirect_dma source(%dma_start3A_44 : memref<8192x8192xf32, #tpu.memory_space<hbm>>) target(%dma_start3A_38 : memref<4x8192xf32, #tpu.memory_space<vmem>>) offsets(%dma_start3A_41 : memref<4xi32, #tpu.memory_space<vmem>>) semaphore(%dma_start3A_46 : memref<!tpu.dma_semaphore, #tpu.memory_space<semaphore_mem>>)
    %dma_start3A_47 = arith.constant 1 : i32
    %dma_start3A_48 = arith.constant 1 : i32
    %dma_start3A_49 = arith.constant 1 : i32
    %dma_start3A_50 = arith.constant 0 : i32
    %dma_start3A_51 = arith.constant 0 : i32
    %dma_start3A_52 = tpu.memref_slice %arg6[%dma_start3A_48, %dma_start3A_50, %dma_start3A_51] : memref<3x4x8192xf32, #tpu.memory_space<vmem>> -> memref<1x4x8192xf32, #tpu.memory_space<vmem>>
    %dma_start3A_53 = tpu.memref_squeeze %dma_start3A_52 : memref<1x4x8192xf32, #tpu.memory_space<vmem>> -> memref<4x8192xf32, #tpu.memory_space<vmem>>
    %dma_start3A_54 = arith.constant 0 : i32
    %dma_start3A_55 = tpu.memref_slice %arg5[%dma_start3A_47, %dma_start3A_54] : memref<128x4xi32, #tpu.memory_space<vmem>> -> memref<1x4xi32, #tpu.memory_space<vmem>>
    %dma_start3A_56 = tpu.memref_squeeze %dma_start3A_55 : memref<1x4xi32, #tpu.memory_space<vmem>> -> memref<4xi32, #tpu.memory_space<vmem>>
    %dma_start3A_57 = arith.constant 0 : i32
    %dma_start3A_58 = arith.constant 0 : i32
    %dma_start3A_59 = tpu.memref_slice %arg3[%dma_start3A_57, %dma_start3A_58] : memref<8192x8192xf32, #tpu.memory_space<hbm>> -> memref<8192x8192xf32, #tpu.memory_space<hbm>>
    %dma_start3A_60 = tpu.memref_slice %arg7[%dma_start3A_49] : memref<3x!tpu.dma_semaphore, #tpu.memory_space<semaphore_mem>> -> memref<1x!tpu.dma_semaphore, #tpu.memory_space<semaphore_mem>>
    %dma_start3A_61 = tpu.memref_squeeze %dma_start3A_60 : memref<1x!tpu.dma_semaphore, #tpu.memory_space<semaphore_mem>> -> memref<!tpu.dma_semaphore, #tpu.memory_space<semaphore_mem>>
    tpu.enqueue_indirect_dma source(%dma_start3A_59 : memref<8192x8192xf32, #tpu.memory_space<hbm>>) target(%dma_start3A_53 : memref<4x8192xf32, #tpu.memory_space<vmem>>) offsets(%dma_start3A_56 : memref<4xi32, #tpu.memory_space<vmem>>) semaphore(%dma_start3A_61 : memref<!tpu.dma_semaphore, #tpu.memory_space<semaphore_mem>>)
    %dma_start3A_62 = arith.constant 2 : i32
    %dma_start3A_63 = arith.constant 2 : i32
    %dma_start3A_64 = arith.constant 2 : i32
    %dma_start3A_65 = arith.constant 0 : i32
    %dma_start3A_66 = arith.constant 0 : i32
    %dma_start3A_67 = tpu.memref_slice %arg6[%dma_start3A_63, %dma_start3A_65, %dma_start3A_66] : memref<3x4x8192xf32, #tpu.memory_space<vmem>> -> memref<1x4x8192xf32, #tpu.memory_space<vmem>>
    %dma_start3A_68 = tpu.memref_squeeze %dma_start3A_67 : memref<1x4x8192xf32, #tpu.memory_space<vmem>> -> memref<4x8192xf32, #tpu.memory_space<vmem>>
    %dma_start3A_69 = arith.constant 0 : i32
    %dma_start3A_70 = tpu.memref_slice %arg5[%dma_start3A_62, %dma_start3A_69] : memref<128x4xi32, #tpu.memory_space<vmem>> -> memref<1x4xi32, #tpu.memory_space<vmem>>
    %dma_start3A_71 = tpu.memref_squeeze %dma_start3A_70 : memref<1x4xi32, #tpu.memory_space<vmem>> -> memref<4xi32, #tpu.memory_space<vmem>>
    %dma_start3A_72 = arith.constant 0 : i32
    %dma_start3A_73 = arith.constant 0 : i32
    %dma_start3A_74 = tpu.memref_slice %arg3[%dma_start3A_72, %dma_start3A_73] : memref<8192x8192xf32, #tpu.memory_space<hbm>> -> memref<8192x8192xf32, #tpu.memory_space<hbm>>
    %dma_start3A_75 = tpu.memref_slice %arg7[%dma_start3A_64] : memref<3x!tpu.dma_semaphore, #tpu.memory_space<semaphore_mem>> -> memref<1x!tpu.dma_semaphore, #tpu.memory_space<semaphore_mem>>
    %dma_start3A_76 = tpu.memref_squeeze %dma_start3A_75 : memref<1x!tpu.dma_semaphore, #tpu.memory_space<semaphore_mem>> -> memref<!tpu.dma_semaphore, #tpu.memory_space<semaphore_mem>>
    tpu.enqueue_indirect_dma source(%dma_start3A_74 : memref<8192x8192xf32, #tpu.memory_space<hbm>>) target(%dma_start3A_68 : memref<4x8192xf32, #tpu.memory_space<vmem>>) offsets(%dma_start3A_71 : memref<4xi32, #tpu.memory_space<vmem>>) semaphore(%dma_start3A_76 : memref<!tpu.dma_semaphore, #tpu.memory_space<semaphore_mem>>)
    %scan3A = arith.constant 0 : i32
    %scan3A_77 = arith.constant 42 : i32
    %scan3A_78 = arith.addi %scan3A, %scan3A_77 : i32
    %scan3A_79 = arith.constant 1 : i32
    scf.for %scan3A_210 = %scan3A to %scan3A_78 step %scan3A_79  : i32 {
      %mul3A_211 = arith.constant 3 : i32
      %mul3A_212 = arith.muli %scan3A_210, %mul3A_211 : i32
      %add3A_213 = arith.constant 0 : i32
      %add3A_214 = arith.addi %add3A_213, %mul3A_212 : i32
      %add3A_215 = arith.constant 0 : i32
      %add3A_216 = arith.addi %add3A_214, %add3A_215 : i32
      %dma_wait3A_217 = arith.constant 0 : i32
      %dma_wait3A_218 = arith.constant 0 : i32
      %dma_wait3A_219 = arith.constant 0 : i32
      %dma_wait3A_220 = arith.constant 0 : i32
      %dma_wait3A_221 = tpu.memref_slice %arg6[%dma_wait3A_217, %dma_wait3A_219, %dma_wait3A_220] : memref<3x4x8192xf32, #tpu.memory_space<vmem>> -> memref<1x4x8192xf32, #tpu.memory_space<vmem>>
      %dma_wait3A_222 = tpu.memref_squeeze %dma_wait3A_221 : memref<1x4x8192xf32, #tpu.memory_space<vmem>> -> memref<4x8192xf32, #tpu.memory_space<vmem>>
      %dma_wait3A_223 = arith.constant 0 : i32
      %dma_wait3A_224 = tpu.memref_slice %arg5[%add3A_216, %dma_wait3A_223] : memref<128x4xi32, #tpu.memory_space<vmem>> -> memref<1x4xi32, #tpu.memory_space<vmem>>
      %dma_wait3A_225 = tpu.memref_squeeze %dma_wait3A_224 : memref<1x4xi32, #tpu.memory_space<vmem>> -> memref<4xi32, #tpu.memory_space<vmem>>
      %dma_wait3A_226 = arith.constant 0 : i32
      %dma_wait3A_227 = arith.constant 0 : i32
      %dma_wait3A_228 = tpu.memref_slice %arg3[%dma_wait3A_226, %dma_wait3A_227] : memref<8192x8192xf32, #tpu.memory_space<hbm>> -> memref<8192x8192xf32, #tpu.memory_space<hbm>>
      %dma_wait3A_229 = tpu.memref_slice %arg7[%dma_wait3A_218] : memref<3x!tpu.dma_semaphore, #tpu.memory_space<semaphore_mem>> -> memref<1x!tpu.dma_semaphore, #tpu.memory_space<semaphore_mem>>
      %dma_wait3A_230 = tpu.memref_squeeze %dma_wait3A_229 : memref<1x!tpu.dma_semaphore, #tpu.memory_space<semaphore_mem>> -> memref<!tpu.dma_semaphore, #tpu.memory_space<semaphore_mem>>
      tpu.wait_indirect_dma semaphore(%dma_wait3A_230 : memref<!tpu.dma_semaphore, #tpu.memory_space<semaphore_mem>>) src(%dma_wait3A_228 : memref<8192x8192xf32, #tpu.memory_space<hbm>>) dst(%dma_wait3A_222 : memref<4x8192xf32, #tpu.memory_space<vmem>>)
      %mul3A_231 = arith.constant 4 : i32
      %mul3A_232 = arith.muli %add3A_216, %mul3A_231 : i32
      %add3A_233 = arith.addi %mul3A_32, %mul3A_232 : i32
      %dma_start3A_234 = arith.constant 0 : i32
      %dma_start3A_235 = arith.constant 0 : i32
      %dma_start3A_236 = arith.constant 0 : i32
      %dma_start3A_237 = arith.constant 0 : i32
      %dma_start3A_238 = tpu.memref_slice %arg6[%dma_start3A_234, %dma_start3A_236, %dma_start3A_237] : memref<3x4x8192xf32, #tpu.memory_space<vmem>> -> memref<1x4x8192xf32, #tpu.memory_space<vmem>>
      %dma_start3A_239 = tpu.memref_squeeze %dma_start3A_238 : memref<1x4x8192xf32, #tpu.memory_space<vmem>> -> memref<4x8192xf32, #tpu.memory_space<vmem>>
      %dma_start3A_240 = arith.constant 0 : i32
      %dma_start3A_241 = tpu.memref_slice %arg4[%select_n3A, %add3A_233, %dma_start3A_240] : memref<16x1024x8192xf32, #tpu.memory_space<hbm>> -> memref<1x4x8192xf32, #tpu.memory_space<hbm>>
      %dma_start3A_242 = tpu.memref_squeeze %dma_start3A_241 : memref<1x4x8192xf32, #tpu.memory_space<hbm>> -> memref<4x8192xf32, #tpu.memory_space<hbm>>
      %dma_start3A_243 = tpu.memref_slice %arg8[%dma_start3A_235] : memref<3x!tpu.dma_semaphore, #tpu.memory_space<semaphore_mem>> -> memref<1x!tpu.dma_semaphore, #tpu.memory_space<semaphore_mem>>
      %dma_start3A_244 = tpu.memref_squeeze %dma_start3A_243 : memref<1x!tpu.dma_semaphore, #tpu.memory_space<semaphore_mem>> -> memref<!tpu.dma_semaphore, #tpu.memory_space<semaphore_mem>>
      %dma_start3A_245 = arith.constant 0 : i32
      %dma_start3A_246 = tpu.memref_slice %arg4[%select_n3A, %add3A_233, %dma_start3A_245] : memref<16x1024x8192xf32, #tpu.memory_space<hbm>> -> memref<1x4x8192xf32, #tpu.memory_space<hbm>>
      %dma_start3A_247 = tpu.memref_squeeze %dma_start3A_246 : memref<1x4x8192xf32, #tpu.memory_space<hbm>> -> memref<4x8192xf32, #tpu.memory_space<hbm>>
      %dma_start3A_248 = arith.constant 0 : i32
      %dma_start3A_249 = arith.constant 0 : i32
      %dma_start3A_250 = tpu.memref_slice %arg6[%dma_start3A_234, %dma_start3A_248, %dma_start3A_249] : memref<3x4x8192xf32, #tpu.memory_space<vmem>> -> memref<1x4x8192xf32, #tpu.memory_space<vmem>>
      %dma_start3A_251 = tpu.memref_squeeze %dma_start3A_250 : memref<1x4x8192xf32, #tpu.memory_space<vmem>> -> memref<4x8192xf32, #tpu.memory_space<vmem>>
      tpu.enqueue_dma source(%dma_start3A_251 : memref<4x8192xf32, #tpu.memory_space<vmem>>) target(%dma_start3A_247 : memref<4x8192xf32, #tpu.memory_space<hbm>>) target_semaphore(%dma_start3A_244 : memref<!tpu.dma_semaphore, #tpu.memory_space<semaphore_mem>>)
      %add3A_252 = arith.constant 3 : i32
      %add3A_253 = arith.addi %add3A_216, %add3A_252 : i32
      %lt3A_254 = arith.constant 128 : i32
      %lt3A_255 = arith.cmpi slt, %add3A_253, %lt3A_254 : i32
      %convert_element_type3A = arith.extui %lt3A_255 : i1 to i32
      %cond3A = arith.constant 0 : i32
      %cond3A_256 = arith.cmpi ne, %convert_element_type3A, %cond3A : i32
      scf.if %cond3A_256 {
        %mul3A_345 = arith.constant 4 : i32
        %mul3A_346 = arith.muli %add3A_216, %mul3A_345 : i32
        %add3A_347 = arith.addi %mul3A_32, %mul3A_346 : i32
        %dma_wait3A_348 = arith.constant 0 : i32
        %dma_wait3A_349 = arith.constant 0 : i32
        %dma_wait3A_350 = arith.constant 0 : i32
        %dma_wait3A_351 = arith.constant 0 : i32
        %dma_wait3A_352 = tpu.memref_slice %arg6[%dma_wait3A_348, %dma_wait3A_350, %dma_wait3A_351] : memref<3x4x8192xf32, #tpu.memory_space<vmem>> -> memref<1x4x8192xf32, #tpu.memory_space<vmem>>
        %dma_wait3A_353 = tpu.memref_squeeze %dma_wait3A_352 : memref<1x4x8192xf32, #tpu.memory_space<vmem>> -> memref<4x8192xf32, #tpu.memory_space<vmem>>
        %dma_wait3A_354 = arith.constant 0 : i32
        %dma_wait3A_355 = tpu.memref_slice %arg4[%select_n3A, %add3A_347, %dma_wait3A_354] : memref<16x1024x8192xf32, #tpu.memory_space<hbm>> -> memref<1x4x8192xf32, #tpu.memory_space<hbm>>
        %dma_wait3A_356 = tpu.memref_squeeze %dma_wait3A_355 : memref<1x4x8192xf32, #tpu.memory_space<hbm>> -> memref<4x8192xf32, #tpu.memory_space<hbm>>
        %dma_wait3A_357 = tpu.memref_slice %arg8[%dma_wait3A_349] : memref<3x!tpu.dma_semaphore, #tpu.memory_space<semaphore_mem>> -> memref<1x!tpu.dma_semaphore, #tpu.memory_space<semaphore_mem>>
        %dma_wait3A_358 = tpu.memref_squeeze %dma_wait3A_357 : memref<1x!tpu.dma_semaphore, #tpu.memory_space<semaphore_mem>> -> memref<!tpu.dma_semaphore, #tpu.memory_space<semaphore_mem>>
        %dma_wait3A_359 = arith.constant 0 : i32
        %dma_wait3A_360 = tpu.memref_slice %arg4[%select_n3A, %add3A_347, %dma_wait3A_359] : memref<16x1024x8192xf32, #tpu.memory_space<hbm>> -> memref<1x4x8192xf32, #tpu.memory_space<hbm>>
        %dma_wait3A_361 = tpu.memref_squeeze %dma_wait3A_360 : memref<1x4x8192xf32, #tpu.memory_space<hbm>> -> memref<4x8192xf32, #tpu.memory_space<hbm>>
        %dma_wait3A_362 = arith.constant 0 : i32
        %dma_wait3A_363 = arith.constant 0 : i32
        %dma_wait3A_364 = tpu.memref_slice %arg6[%dma_wait3A_348, %dma_wait3A_362, %dma_wait3A_363] : memref<3x4x8192xf32, #tpu.memory_space<vmem>> -> memref<1x4x8192xf32, #tpu.memory_space<vmem>>
        %dma_wait3A_365 = tpu.memref_squeeze %dma_wait3A_364 : memref<1x4x8192xf32, #tpu.memory_space<vmem>> -> memref<4x8192xf32, #tpu.memory_space<vmem>>
        tpu.wait_dma2 semaphore(%dma_wait3A_358 : memref<!tpu.dma_semaphore, #tpu.memory_space<semaphore_mem>>) src(%dma_wait3A_365 : memref<4x8192xf32, #tpu.memory_space<vmem>>) dst(%dma_wait3A_361 : memref<4x8192xf32, #tpu.memory_space<hbm>>)
        %add3A_366 = arith.constant 3 : i32
        %add3A_367 = arith.addi %add3A_216, %add3A_366 : i32
        %dma_start3A_368 = arith.constant 0 : i32
        %dma_start3A_369 = arith.constant 0 : i32
        %dma_start3A_370 = arith.constant 0 : i32
        %dma_start3A_371 = arith.constant 0 : i32
        %dma_start3A_372 = tpu.memref_slice %arg6[%dma_start3A_368, %dma_start3A_370, %dma_start3A_371] : memref<3x4x8192xf32, #tpu.memory_space<vmem>> -> memref<1x4x8192xf32, #tpu.memory_space<vmem>>
        %dma_start3A_373 = tpu.memref_squeeze %dma_start3A_372 : memref<1x4x8192xf32, #tpu.memory_space<vmem>> -> memref<4x8192xf32, #tpu.memory_space<vmem>>
        %dma_start3A_374 = arith.constant 0 : i32
        %dma_start3A_375 = tpu.memref_slice %arg5[%add3A_367, %dma_start3A_374] : memref<128x4xi32, #tpu.memory_space<vmem>> -> memref<1x4xi32, #tpu.memory_space<vmem>>
        %dma_start3A_376 = tpu.memref_squeeze %dma_start3A_375 : memref<1x4xi32, #tpu.memory_space<vmem>> -> memref<4xi32, #tpu.memory_space<vmem>>
        %dma_start3A_377 = arith.constant 0 : i32
        %dma_start3A_378 = arith.constant 0 : i32
        %dma_start3A_379 = tpu.memref_slice %arg3[%dma_start3A_377, %dma_start3A_378] : memref<8192x8192xf32, #tpu.memory_space<hbm>> -> memref<8192x8192xf32, #tpu.memory_space<hbm>>
        %dma_start3A_380 = tpu.memref_slice %arg7[%dma_start3A_369] : memref<3x!tpu.dma_semaphore, #tpu.memory_space<semaphore_mem>> -> memref<1x!tpu.dma_semaphore, #tpu.memory_space<semaphore_mem>>
        %dma_start3A_381 = tpu.memref_squeeze %dma_start3A_380 : memref<1x!tpu.dma_semaphore, #tpu.memory_space<semaphore_mem>> -> memref<!tpu.dma_semaphore, #tpu.memory_space<semaphore_mem>>
        tpu.enqueue_indirect_dma source(%dma_start3A_379 : memref<8192x8192xf32, #tpu.memory_space<hbm>>) target(%dma_start3A_373 : memref<4x8192xf32, #tpu.memory_space<vmem>>) offsets(%dma_start3A_376 : memref<4xi32, #tpu.memory_space<vmem>>) semaphore(%dma_start3A_381 : memref<!tpu.dma_semaphore, #tpu.memory_space<semaphore_mem>>)
      } else {
      }
      %add3A_257 = arith.constant 1 : i32
      %add3A_258 = arith.addi %add3A_214, %add3A_257 : i32
      %dma_wait3A_259 = arith.constant 1 : i32
      %dma_wait3A_260 = arith.constant 1 : i32
      %dma_wait3A_261 = arith.constant 0 : i32
      %dma_wait3A_262 = arith.constant 0 : i32
      %dma_wait3A_263 = tpu.memref_slice %arg6[%dma_wait3A_259, %dma_wait3A_261, %dma_wait3A_262] : memref<3x4x8192xf32, #tpu.memory_space<vmem>> -> memref<1x4x8192xf32, #tpu.memory_space<vmem>>
      %dma_wait3A_264 = tpu.memref_squeeze %dma_wait3A_263 : memref<1x4x8192xf32, #tpu.memory_space<vmem>> -> memref<4x8192xf32, #tpu.memory_space<vmem>>
      %dma_wait3A_265 = arith.constant 0 : i32
      %dma_wait3A_266 = tpu.memref_slice %arg5[%add3A_258, %dma_wait3A_265] : memref<128x4xi32, #tpu.memory_space<vmem>> -> memref<1x4xi32, #tpu.memory_space<vmem>>
      %dma_wait3A_267 = tpu.memref_squeeze %dma_wait3A_266 : memref<1x4xi32, #tpu.memory_space<vmem>> -> memref<4xi32, #tpu.memory_space<vmem>>
      %dma_wait3A_268 = arith.constant 0 : i32
      %dma_wait3A_269 = arith.constant 0 : i32
      %dma_wait3A_270 = tpu.memref_slice %arg3[%dma_wait3A_268, %dma_wait3A_269] : memref<8192x8192xf32, #tpu.memory_space<hbm>> -> memref<8192x8192xf32, #tpu.memory_space<hbm>>
      %dma_wait3A_271 = tpu.memref_slice %arg7[%dma_wait3A_260] : memref<3x!tpu.dma_semaphore, #tpu.memory_space<semaphore_mem>> -> memref<1x!tpu.dma_semaphore, #tpu.memory_space<semaphore_mem>>
      %dma_wait3A_272 = tpu.memref_squeeze %dma_wait3A_271 : memref<1x!tpu.dma_semaphore, #tpu.memory_space<semaphore_mem>> -> memref<!tpu.dma_semaphore, #tpu.memory_space<semaphore_mem>>
      tpu.wait_indirect_dma semaphore(%dma_wait3A_272 : memref<!tpu.dma_semaphore, #tpu.memory_space<semaphore_mem>>) src(%dma_wait3A_270 : memref<8192x8192xf32, #tpu.memory_space<hbm>>) dst(%dma_wait3A_264 : memref<4x8192xf32, #tpu.memory_space<vmem>>)
      %mul3A_273 = arith.constant 4 : i32
      %mul3A_274 = arith.muli %add3A_258, %mul3A_273 : i32
      %add3A_275 = arith.addi %mul3A_32, %mul3A_274 : i32
      %dma_start3A_276 = arith.constant 1 : i32
      %dma_start3A_277 = arith.constant 1 : i32
      %dma_start3A_278 = arith.constant 0 : i32
      %dma_start3A_279 = arith.constant 0 : i32
      %dma_start3A_280 = tpu.memref_slice %arg6[%dma_start3A_276, %dma_start3A_278, %dma_start3A_279] : memref<3x4x8192xf32, #tpu.memory_space<vmem>> -> memref<1x4x8192xf32, #tpu.memory_space<vmem>>
      %dma_start3A_281 = tpu.memref_squeeze %dma_start3A_280 : memref<1x4x8192xf32, #tpu.memory_space<vmem>> -> memref<4x8192xf32, #tpu.memory_space<vmem>>
      %dma_start3A_282 = arith.constant 0 : i32
      %dma_start3A_283 = tpu.memref_slice %arg4[%select_n3A, %add3A_275, %dma_start3A_282] : memref<16x1024x8192xf32, #tpu.memory_space<hbm>> -> memref<1x4x8192xf32, #tpu.memory_space<hbm>>
      %dma_start3A_284 = tpu.memref_squeeze %dma_start3A_283 : memref<1x4x8192xf32, #tpu.memory_space<hbm>> -> memref<4x8192xf32, #tpu.memory_space<hbm>>
      %dma_start3A_285 = tpu.memref_slice %arg8[%dma_start3A_277] : memref<3x!tpu.dma_semaphore, #tpu.memory_space<semaphore_mem>> -> memref<1x!tpu.dma_semaphore, #tpu.memory_space<semaphore_mem>>
      %dma_start3A_286 = tpu.memref_squeeze %dma_start3A_285 : memref<1x!tpu.dma_semaphore, #tpu.memory_space<semaphore_mem>> -> memref<!tpu.dma_semaphore, #tpu.memory_space<semaphore_mem>>
      %dma_start3A_287 = arith.constant 0 : i32
      %dma_start3A_288 = tpu.memref_slice %arg4[%select_n3A, %add3A_275, %dma_start3A_287] : memref<16x1024x8192xf32, #tpu.memory_space<hbm>> -> memref<1x4x8192xf32, #tpu.memory_space<hbm>>
      %dma_start3A_289 = tpu.memref_squeeze %dma_start3A_288 : memref<1x4x8192xf32, #tpu.memory_space<hbm>> -> memref<4x8192xf32, #tpu.memory_space<hbm>>
      %dma_start3A_290 = arith.constant 0 : i32
      %dma_start3A_291 = arith.constant 0 : i32
      %dma_start3A_292 = tpu.memref_slice %arg6[%dma_start3A_276, %dma_start3A_290, %dma_start3A_291] : memref<3x4x8192xf32, #tpu.memory_space<vmem>> -> memref<1x4x8192xf32, #tpu.memory_space<vmem>>
      %dma_start3A_293 = tpu.memref_squeeze %dma_start3A_292 : memref<1x4x8192xf32, #tpu.memory_space<vmem>> -> memref<4x8192xf32, #tpu.memory_space<vmem>>
      tpu.enqueue_dma source(%dma_start3A_293 : memref<4x8192xf32, #tpu.memory_space<vmem>>) target(%dma_start3A_289 : memref<4x8192xf32, #tpu.memory_space<hbm>>) target_semaphore(%dma_start3A_286 : memref<!tpu.dma_semaphore, #tpu.memory_space<semaphore_mem>>)
      %add3A_294 = arith.constant 3 : i32
      %add3A_295 = arith.addi %add3A_258, %add3A_294 : i32
      %lt3A_296 = arith.constant 128 : i32
      %lt3A_297 = arith.cmpi slt, %add3A_295, %lt3A_296 : i32
      %convert_element_type3A_298 = arith.extui %lt3A_297 : i1 to i32
      %cond3A_299 = arith.constant 0 : i32
      %cond3A_300 = arith.cmpi ne, %convert_element_type3A_298, %cond3A_299 : i32
      scf.if %cond3A_300 {
        %mul3A_345 = arith.constant 4 : i32
        %mul3A_346 = arith.muli %add3A_258, %mul3A_345 : i32
        %add3A_347 = arith.addi %mul3A_32, %mul3A_346 : i32
        %dma_wait3A_348 = arith.constant 1 : i32
        %dma_wait3A_349 = arith.constant 1 : i32
        %dma_wait3A_350 = arith.constant 0 : i32
        %dma_wait3A_351 = arith.constant 0 : i32
        %dma_wait3A_352 = tpu.memref_slice %arg6[%dma_wait3A_348, %dma_wait3A_350, %dma_wait3A_351] : memref<3x4x8192xf32, #tpu.memory_space<vmem>> -> memref<1x4x8192xf32, #tpu.memory_space<vmem>>
        %dma_wait3A_353 = tpu.memref_squeeze %dma_wait3A_352 : memref<1x4x8192xf32, #tpu.memory_space<vmem>> -> memref<4x8192xf32, #tpu.memory_space<vmem>>
        %dma_wait3A_354 = arith.constant 0 : i32
        %dma_wait3A_355 = tpu.memref_slice %arg4[%select_n3A, %add3A_347, %dma_wait3A_354] : memref<16x1024x8192xf32, #tpu.memory_space<hbm>> -> memref<1x4x8192xf32, #tpu.memory_space<hbm>>
        %dma_wait3A_356 = tpu.memref_squeeze %dma_wait3A_355 : memref<1x4x8192xf32, #tpu.memory_space<hbm>> -> memref<4x8192xf32, #tpu.memory_space<hbm>>
        %dma_wait3A_357 = tpu.memref_slice %arg8[%dma_wait3A_349] : memref<3x!tpu.dma_semaphore, #tpu.memory_space<semaphore_mem>> -> memref<1x!tpu.dma_semaphore, #tpu.memory_space<semaphore_mem>>
        %dma_wait3A_358 = tpu.memref_squeeze %dma_wait3A_357 : memref<1x!tpu.dma_semaphore, #tpu.memory_space<semaphore_mem>> -> memref<!tpu.dma_semaphore, #tpu.memory_space<semaphore_mem>>
        %dma_wait3A_359 = arith.constant 0 : i32
        %dma_wait3A_360 = tpu.memref_slice %arg4[%select_n3A, %add3A_347, %dma_wait3A_359] : memref<16x1024x8192xf32, #tpu.memory_space<hbm>> -> memref<1x4x8192xf32, #tpu.memory_space<hbm>>
        %dma_wait3A_361 = tpu.memref_squeeze %dma_wait3A_360 : memref<1x4x8192xf32, #tpu.memory_space<hbm>> -> memref<4x8192xf32, #tpu.memory_space<hbm>>
        %dma_wait3A_362 = arith.constant 0 : i32
        %dma_wait3A_363 = arith.constant 0 : i32
        %dma_wait3A_364 = tpu.memref_slice %arg6[%dma_wait3A_348, %dma_wait3A_362, %dma_wait3A_363] : memref<3x4x8192xf32, #tpu.memory_space<vmem>> -> memref<1x4x8192xf32, #tpu.memory_space<vmem>>
        %dma_wait3A_365 = tpu.memref_squeeze %dma_wait3A_364 : memref<1x4x8192xf32, #tpu.memory_space<vmem>> -> memref<4x8192xf32, #tpu.memory_space<vmem>>
        tpu.wait_dma2 semaphore(%dma_wait3A_358 : memref<!tpu.dma_semaphore, #tpu.memory_space<semaphore_mem>>) src(%dma_wait3A_365 : memref<4x8192xf32, #tpu.memory_space<vmem>>) dst(%dma_wait3A_361 : memref<4x8192xf32, #tpu.memory_space<hbm>>)
        %add3A_366 = arith.constant 3 : i32
        %add3A_367 = arith.addi %add3A_258, %add3A_366 : i32
        %dma_start3A_368 = arith.constant 1 : i32
        %dma_start3A_369 = arith.constant 1 : i32
        %dma_start3A_370 = arith.constant 0 : i32
        %dma_start3A_371 = arith.constant 0 : i32
        %dma_start3A_372 = tpu.memref_slice %arg6[%dma_start3A_368, %dma_start3A_370, %dma_start3A_371] : memref<3x4x8192xf32, #tpu.memory_space<vmem>> -> memref<1x4x8192xf32, #tpu.memory_space<vmem>>
        %dma_start3A_373 = tpu.memref_squeeze %dma_start3A_372 : memref<1x4x8192xf32, #tpu.memory_space<vmem>> -> memref<4x8192xf32, #tpu.memory_space<vmem>>
        %dma_start3A_374 = arith.constant 0 : i32
        %dma_start3A_375 = tpu.memref_slice %arg5[%add3A_367, %dma_start3A_374] : memref<128x4xi32, #tpu.memory_space<vmem>> -> memref<1x4xi32, #tpu.memory_space<vmem>>
        %dma_start3A_376 = tpu.memref_squeeze %dma_start3A_375 : memref<1x4xi32, #tpu.memory_space<vmem>> -> memref<4xi32, #tpu.memory_space<vmem>>
        %dma_start3A_377 = arith.constant 0 : i32
        %dma_start3A_378 = arith.constant 0 : i32
        %dma_start3A_379 = tpu.memref_slice %arg3[%dma_start3A_377, %dma_start3A_378] : memref<8192x8192xf32, #tpu.memory_space<hbm>> -> memref<8192x8192xf32, #tpu.memory_space<hbm>>
        %dma_start3A_380 = tpu.memref_slice %arg7[%dma_start3A_369] : memref<3x!tpu.dma_semaphore, #tpu.memory_space<semaphore_mem>> -> memref<1x!tpu.dma_semaphore, #tpu.memory_space<semaphore_mem>>
        %dma_start3A_381 = tpu.memref_squeeze %dma_start3A_380 : memref<1x!tpu.dma_semaphore, #tpu.memory_space<semaphore_mem>> -> memref<!tpu.dma_semaphore, #tpu.memory_space<semaphore_mem>>
        tpu.enqueue_indirect_dma source(%dma_start3A_379 : memref<8192x8192xf32, #tpu.memory_space<hbm>>) target(%dma_start3A_373 : memref<4x8192xf32, #tpu.memory_space<vmem>>) offsets(%dma_start3A_376 : memref<4xi32, #tpu.memory_space<vmem>>) semaphore(%dma_start3A_381 : memref<!tpu.dma_semaphore, #tpu.memory_space<semaphore_mem>>)
      } else {
      }
      %add3A_301 = arith.constant 2 : i32
      %add3A_302 = arith.addi %add3A_214, %add3A_301 : i32
      %dma_wait3A_303 = arith.constant 2 : i32
      %dma_wait3A_304 = arith.constant 2 : i32
      %dma_wait3A_305 = arith.constant 0 : i32
      %dma_wait3A_306 = arith.constant 0 : i32
      %dma_wait3A_307 = tpu.memref_slice %arg6[%dma_wait3A_303, %dma_wait3A_305, %dma_wait3A_306] : memref<3x4x8192xf32, #tpu.memory_space<vmem>> -> memref<1x4x8192xf32, #tpu.memory_space<vmem>>
      %dma_wait3A_308 = tpu.memref_squeeze %dma_wait3A_307 : memref<1x4x8192xf32, #tpu.memory_space<vmem>> -> memref<4x8192xf32, #tpu.memory_space<vmem>>
      %dma_wait3A_309 = arith.constant 0 : i32
      %dma_wait3A_310 = tpu.memref_slice %arg5[%add3A_302, %dma_wait3A_309] : memref<128x4xi32, #tpu.memory_space<vmem>> -> memref<1x4xi32, #tpu.memory_space<vmem>>
      %dma_wait3A_311 = tpu.memref_squeeze %dma_wait3A_310 : memref<1x4xi32, #tpu.memory_space<vmem>> -> memref<4xi32, #tpu.memory_space<vmem>>
      %dma_wait3A_312 = arith.constant 0 : i32
      %dma_wait3A_313 = arith.constant 0 : i32
      %dma_wait3A_314 = tpu.memref_slice %arg3[%dma_wait3A_312, %dma_wait3A_313] : memref<8192x8192xf32, #tpu.memory_space<hbm>> -> memref<8192x8192xf32, #tpu.memory_space<hbm>>
      %dma_wait3A_315 = tpu.memref_slice %arg7[%dma_wait3A_304] : memref<3x!tpu.dma_semaphore, #tpu.memory_space<semaphore_mem>> -> memref<1x!tpu.dma_semaphore, #tpu.memory_space<semaphore_mem>>
      %dma_wait3A_316 = tpu.memref_squeeze %dma_wait3A_315 : memref<1x!tpu.dma_semaphore, #tpu.memory_space<semaphore_mem>> -> memref<!tpu.dma_semaphore, #tpu.memory_space<semaphore_mem>>
      tpu.wait_indirect_dma semaphore(%dma_wait3A_316 : memref<!tpu.dma_semaphore, #tpu.memory_space<semaphore_mem>>) src(%dma_wait3A_314 : memref<8192x8192xf32, #tpu.memory_space<hbm>>) dst(%dma_wait3A_308 : memref<4x8192xf32, #tpu.memory_space<vmem>>)
      %mul3A_317 = arith.constant 4 : i32
      %mul3A_318 = arith.muli %add3A_302, %mul3A_317 : i32
      %add3A_319 = arith.addi %mul3A_32, %mul3A_318 : i32
      %dma_start3A_320 = arith.constant 2 : i32
      %dma_start3A_321 = arith.constant 2 : i32
      %dma_start3A_322 = arith.constant 0 : i32
      %dma_start3A_323 = arith.constant 0 : i32
      %dma_start3A_324 = tpu.memref_slice %arg6[%dma_start3A_320, %dma_start3A_322, %dma_start3A_323] : memref<3x4x8192xf32, #tpu.memory_space<vmem>> -> memref<1x4x8192xf32, #tpu.memory_space<vmem>>
      %dma_start3A_325 = tpu.memref_squeeze %dma_start3A_324 : memref<1x4x8192xf32, #tpu.memory_space<vmem>> -> memref<4x8192xf32, #tpu.memory_space<vmem>>
      %dma_start3A_326 = arith.constant 0 : i32
      %dma_start3A_327 = tpu.memref_slice %arg4[%select_n3A, %add3A_319, %dma_start3A_326] : memref<16x1024x8192xf32, #tpu.memory_space<hbm>> -> memref<1x4x8192xf32, #tpu.memory_space<hbm>>
      %dma_start3A_328 = tpu.memref_squeeze %dma_start3A_327 : memref<1x4x8192xf32, #tpu.memory_space<hbm>> -> memref<4x8192xf32, #tpu.memory_space<hbm>>
      %dma_start3A_329 = tpu.memref_slice %arg8[%dma_start3A_321] : memref<3x!tpu.dma_semaphore, #tpu.memory_space<semaphore_mem>> -> memref<1x!tpu.dma_semaphore, #tpu.memory_space<semaphore_mem>>
      %dma_start3A_330 = tpu.memref_squeeze %dma_start3A_329 : memref<1x!tpu.dma_semaphore, #tpu.memory_space<semaphore_mem>> -> memref<!tpu.dma_semaphore, #tpu.memory_space<semaphore_mem>>
      %dma_start3A_331 = arith.constant 0 : i32
      %dma_start3A_332 = tpu.memref_slice %arg4[%select_n3A, %add3A_319, %dma_start3A_331] : memref<16x1024x8192xf32, #tpu.memory_space<hbm>> -> memref<1x4x8192xf32, #tpu.memory_space<hbm>>
      %dma_start3A_333 = tpu.memref_squeeze %dma_start3A_332 : memref<1x4x8192xf32, #tpu.memory_space<hbm>> -> memref<4x8192xf32, #tpu.memory_space<hbm>>
      %dma_start3A_334 = arith.constant 0 : i32
      %dma_start3A_335 = arith.constant 0 : i32
      %dma_start3A_336 = tpu.memref_slice %arg6[%dma_start3A_320, %dma_start3A_334, %dma_start3A_335] : memref<3x4x8192xf32, #tpu.memory_space<vmem>> -> memref<1x4x8192xf32, #tpu.memory_space<vmem>>
      %dma_start3A_337 = tpu.memref_squeeze %dma_start3A_336 : memref<1x4x8192xf32, #tpu.memory_space<vmem>> -> memref<4x8192xf32, #tpu.memory_space<vmem>>
      tpu.enqueue_dma source(%dma_start3A_337 : memref<4x8192xf32, #tpu.memory_space<vmem>>) target(%dma_start3A_333 : memref<4x8192xf32, #tpu.memory_space<hbm>>) target_semaphore(%dma_start3A_330 : memref<!tpu.dma_semaphore, #tpu.memory_space<semaphore_mem>>)
      %add3A_338 = arith.constant 3 : i32
      %add3A_339 = arith.addi %add3A_302, %add3A_338 : i32
      %lt3A_340 = arith.constant 128 : i32
      %lt3A_341 = arith.cmpi slt, %add3A_339, %lt3A_340 : i32
      %convert_element_type3A_342 = arith.extui %lt3A_341 : i1 to i32
      %cond3A_343 = arith.constant 0 : i32
      %cond3A_344 = arith.cmpi ne, %convert_element_type3A_342, %cond3A_343 : i32
      scf.if %cond3A_344 {
        %mul3A_345 = arith.constant 4 : i32
        %mul3A_346 = arith.muli %add3A_302, %mul3A_345 : i32
        %add3A_347 = arith.addi %mul3A_32, %mul3A_346 : i32
        %dma_wait3A_348 = arith.constant 2 : i32
        %dma_wait3A_349 = arith.constant 2 : i32
        %dma_wait3A_350 = arith.constant 0 : i32
        %dma_wait3A_351 = arith.constant 0 : i32
        %dma_wait3A_352 = tpu.memref_slice %arg6[%dma_wait3A_348, %dma_wait3A_350, %dma_wait3A_351] : memref<3x4x8192xf32, #tpu.memory_space<vmem>> -> memref<1x4x8192xf32, #tpu.memory_space<vmem>>
        %dma_wait3A_353 = tpu.memref_squeeze %dma_wait3A_352 : memref<1x4x8192xf32, #tpu.memory_space<vmem>> -> memref<4x8192xf32, #tpu.memory_space<vmem>>
        %dma_wait3A_354 = arith.constant 0 : i32
        %dma_wait3A_355 = tpu.memref_slice %arg4[%select_n3A, %add3A_347, %dma_wait3A_354] : memref<16x1024x8192xf32, #tpu.memory_space<hbm>> -> memref<1x4x8192xf32, #tpu.memory_space<hbm>>
        %dma_wait3A_356 = tpu.memref_squeeze %dma_wait3A_355 : memref<1x4x8192xf32, #tpu.memory_space<hbm>> -> memref<4x8192xf32, #tpu.memory_space<hbm>>
        %dma_wait3A_357 = tpu.memref_slice %arg8[%dma_wait3A_349] : memref<3x!tpu.dma_semaphore, #tpu.memory_space<semaphore_mem>> -> memref<1x!tpu.dma_semaphore, #tpu.memory_space<semaphore_mem>>
        %dma_wait3A_358 = tpu.memref_squeeze %dma_wait3A_357 : memref<1x!tpu.dma_semaphore, #tpu.memory_space<semaphore_mem>> -> memref<!tpu.dma_semaphore, #tpu.memory_space<semaphore_mem>>
        %dma_wait3A_359 = arith.constant 0 : i32
        %dma_wait3A_360 = tpu.memref_slice %arg4[%select_n3A, %add3A_347, %dma_wait3A_359] : memref<16x1024x8192xf32, #tpu.memory_space<hbm>> -> memref<1x4x8192xf32, #tpu.memory_space<hbm>>
        %dma_wait3A_361 = tpu.memref_squeeze %dma_wait3A_360 : memref<1x4x8192xf32, #tpu.memory_space<hbm>> -> memref<4x8192xf32, #tpu.memory_space<hbm>>
        %dma_wait3A_362 = arith.constant 0 : i32
        %dma_wait3A_363 = arith.constant 0 : i32
        %dma_wait3A_364 = tpu.memref_slice %arg6[%dma_wait3A_348, %dma_wait3A_362, %dma_wait3A_363] : memref<3x4x8192xf32, #tpu.memory_space<vmem>> -> memref<1x4x8192xf32, #tpu.memory_space<vmem>>
        %dma_wait3A_365 = tpu.memref_squeeze %dma_wait3A_364 : memref<1x4x8192xf32, #tpu.memory_space<vmem>> -> memref<4x8192xf32, #tpu.memory_space<vmem>>
        tpu.wait_dma2 semaphore(%dma_wait3A_358 : memref<!tpu.dma_semaphore, #tpu.memory_space<semaphore_mem>>) src(%dma_wait3A_365 : memref<4x8192xf32, #tpu.memory_space<vmem>>) dst(%dma_wait3A_361 : memref<4x8192xf32, #tpu.memory_space<hbm>>)
        %add3A_366 = arith.constant 3 : i32
        %add3A_367 = arith.addi %add3A_302, %add3A_366 : i32
        %dma_start3A_368 = arith.constant 2 : i32
        %dma_start3A_369 = arith.constant 2 : i32
        %dma_start3A_370 = arith.constant 0 : i32
        %dma_start3A_371 = arith.constant 0 : i32
        %dma_start3A_372 = tpu.memref_slice %arg6[%dma_start3A_368, %dma_start3A_370, %dma_start3A_371] : memref<3x4x8192xf32, #tpu.memory_space<vmem>> -> memref<1x4x8192xf32, #tpu.memory_space<vmem>>
        %dma_start3A_373 = tpu.memref_squeeze %dma_start3A_372 : memref<1x4x8192xf32, #tpu.memory_space<vmem>> -> memref<4x8192xf32, #tpu.memory_space<vmem>>
        %dma_start3A_374 = arith.constant 0 : i32
        %dma_start3A_375 = tpu.memref_slice %arg5[%add3A_367, %dma_start3A_374] : memref<128x4xi32, #tpu.memory_space<vmem>> -> memref<1x4xi32, #tpu.memory_space<vmem>>
        %dma_start3A_376 = tpu.memref_squeeze %dma_start3A_375 : memref<1x4xi32, #tpu.memory_space<vmem>> -> memref<4xi32, #tpu.memory_space<vmem>>
        %dma_start3A_377 = arith.constant 0 : i32
        %dma_start3A_378 = arith.constant 0 : i32
        %dma_start3A_379 = tpu.memref_slice %arg3[%dma_start3A_377, %dma_start3A_378] : memref<8192x8192xf32, #tpu.memory_space<hbm>> -> memref<8192x8192xf32, #tpu.memory_space<hbm>>
        %dma_start3A_380 = tpu.memref_slice %arg7[%dma_start3A_369] : memref<3x!tpu.dma_semaphore, #tpu.memory_space<semaphore_mem>> -> memref<1x!tpu.dma_semaphore, #tpu.memory_space<semaphore_mem>>
        %dma_start3A_381 = tpu.memref_squeeze %dma_start3A_380 : memref<1x!tpu.dma_semaphore, #tpu.memory_space<semaphore_mem>> -> memref<!tpu.dma_semaphore, #tpu.memory_space<semaphore_mem>>
        tpu.enqueue_indirect_dma source(%dma_start3A_379 : memref<8192x8192xf32, #tpu.memory_space<hbm>>) target(%dma_start3A_373 : memref<4x8192xf32, #tpu.memory_space<vmem>>) offsets(%dma_start3A_376 : memref<4xi32, #tpu.memory_space<vmem>>) semaphore(%dma_start3A_381 : memref<!tpu.dma_semaphore, #tpu.memory_space<semaphore_mem>>)
      } else {
      }
    }
    %scan3A_80 = arith.constant 42 : i32
    %dma_wait3A = arith.constant 126 : i32
    %dma_wait3A_81 = arith.constant 0 : i32
    %dma_wait3A_82 = arith.constant 0 : i32
    %dma_wait3A_83 = arith.constant 0 : i32
    %dma_wait3A_84 = arith.constant 0 : i32
    %dma_wait3A_85 = tpu.memref_slice %arg6[%dma_wait3A_81, %dma_wait3A_83, %dma_wait3A_84] : memref<3x4x8192xf32, #tpu.memory_space<vmem>> -> memref<1x4x8192xf32, #tpu.memory_space<vmem>>
    %dma_wait3A_86 = tpu.memref_squeeze %dma_wait3A_85 : memref<1x4x8192xf32, #tpu.memory_space<vmem>> -> memref<4x8192xf32, #tpu.memory_space<vmem>>
    %dma_wait3A_87 = arith.constant 0 : i32
    %dma_wait3A_88 = tpu.memref_slice %arg5[%dma_wait3A, %dma_wait3A_87] : memref<128x4xi32, #tpu.memory_space<vmem>> -> memref<1x4xi32, #tpu.memory_space<vmem>>
    %dma_wait3A_89 = tpu.memref_squeeze %dma_wait3A_88 : memref<1x4xi32, #tpu.memory_space<vmem>> -> memref<4xi32, #tpu.memory_space<vmem>>
    %dma_wait3A_90 = arith.constant 0 : i32
    %dma_wait3A_91 = arith.constant 0 : i32
    %dma_wait3A_92 = tpu.memref_slice %arg3[%dma_wait3A_90, %dma_wait3A_91] : memref<8192x8192xf32, #tpu.memory_space<hbm>> -> memref<8192x8192xf32, #tpu.memory_space<hbm>>
    %dma_wait3A_93 = tpu.memref_slice %arg7[%dma_wait3A_82] : memref<3x!tpu.dma_semaphore, #tpu.memory_space<semaphore_mem>> -> memref<1x!tpu.dma_semaphore, #tpu.memory_space<semaphore_mem>>
    %dma_wait3A_94 = tpu.memref_squeeze %dma_wait3A_93 : memref<1x!tpu.dma_semaphore, #tpu.memory_space<semaphore_mem>> -> memref<!tpu.dma_semaphore, #tpu.memory_space<semaphore_mem>>
    tpu.wait_indirect_dma semaphore(%dma_wait3A_94 : memref<!tpu.dma_semaphore, #tpu.memory_space<semaphore_mem>>) src(%dma_wait3A_92 : memref<8192x8192xf32, #tpu.memory_space<hbm>>) dst(%dma_wait3A_86 : memref<4x8192xf32, #tpu.memory_space<vmem>>)
    %add3A_95 = arith.constant 504 : i32
    %add3A_96 = arith.addi %mul3A_32, %add3A_95 : i32
    %dma_start3A_97 = arith.constant 0 : i32
    %dma_start3A_98 = arith.constant 0 : i32
    %dma_start3A_99 = arith.constant 0 : i32
    %dma_start3A_100 = arith.constant 0 : i32
    %dma_start3A_101 = tpu.memref_slice %arg6[%dma_start3A_97, %dma_start3A_99, %dma_start3A_100] : memref<3x4x8192xf32, #tpu.memory_space<vmem>> -> memref<1x4x8192xf32, #tpu.memory_space<vmem>>
    %dma_start3A_102 = tpu.memref_squeeze %dma_start3A_101 : memref<1x4x8192xf32, #tpu.memory_space<vmem>> -> memref<4x8192xf32, #tpu.memory_space<vmem>>
    %dma_start3A_103 = arith.constant 0 : i32
    %dma_start3A_104 = tpu.memref_slice %arg4[%select_n3A, %add3A_96, %dma_start3A_103] : memref<16x1024x8192xf32, #tpu.memory_space<hbm>> -> memref<1x4x8192xf32, #tpu.memory_space<hbm>>
    %dma_start3A_105 = tpu.memref_squeeze %dma_start3A_104 : memref<1x4x8192xf32, #tpu.memory_space<hbm>> -> memref<4x8192xf32, #tpu.memory_space<hbm>>
    %dma_start3A_106 = tpu.memref_slice %arg8[%dma_start3A_98] : memref<3x!tpu.dma_semaphore, #tpu.memory_space<semaphore_mem>> -> memref<1x!tpu.dma_semaphore, #tpu.memory_space<semaphore_mem>>
    %dma_start3A_107 = tpu.memref_squeeze %dma_start3A_106 : memref<1x!tpu.dma_semaphore, #tpu.memory_space<semaphore_mem>> -> memref<!tpu.dma_semaphore, #tpu.memory_space<semaphore_mem>>
    %dma_start3A_108 = arith.constant 0 : i32
    %dma_start3A_109 = tpu.memref_slice %arg4[%select_n3A, %add3A_96, %dma_start3A_108] : memref<16x1024x8192xf32, #tpu.memory_space<hbm>> -> memref<1x4x8192xf32, #tpu.memory_space<hbm>>
    %dma_start3A_110 = tpu.memref_squeeze %dma_start3A_109 : memref<1x4x8192xf32, #tpu.memory_space<hbm>> -> memref<4x8192xf32, #tpu.memory_space<hbm>>
    %dma_start3A_111 = arith.constant 0 : i32
    %dma_start3A_112 = arith.constant 0 : i32
    %dma_start3A_113 = tpu.memref_slice %arg6[%dma_start3A_97, %dma_start3A_111, %dma_start3A_112] : memref<3x4x8192xf32, #tpu.memory_space<vmem>> -> memref<1x4x8192xf32, #tpu.memory_space<vmem>>
    %dma_start3A_114 = tpu.memref_squeeze %dma_start3A_113 : memref<1x4x8192xf32, #tpu.memory_space<vmem>> -> memref<4x8192xf32, #tpu.memory_space<vmem>>
    tpu.enqueue_dma source(%dma_start3A_114 : memref<4x8192xf32, #tpu.memory_space<vmem>>) target(%dma_start3A_110 : memref<4x8192xf32, #tpu.memory_space<hbm>>) target_semaphore(%dma_start3A_107 : memref<!tpu.dma_semaphore, #tpu.memory_space<semaphore_mem>>)
    %dma_wait3A_115 = arith.constant 127 : i32
    %dma_wait3A_116 = arith.constant 1 : i32
    %dma_wait3A_117 = arith.constant 1 : i32
    %dma_wait3A_118 = arith.constant 0 : i32
    %dma_wait3A_119 = arith.constant 0 : i32
    %dma_wait3A_120 = tpu.memref_slice %arg6[%dma_wait3A_116, %dma_wait3A_118, %dma_wait3A_119] : memref<3x4x8192xf32, #tpu.memory_space<vmem>> -> memref<1x4x8192xf32, #tpu.memory_space<vmem>>
    %dma_wait3A_121 = tpu.memref_squeeze %dma_wait3A_120 : memref<1x4x8192xf32, #tpu.memory_space<vmem>> -> memref<4x8192xf32, #tpu.memory_space<vmem>>
    %dma_wait3A_122 = arith.constant 0 : i32
    %dma_wait3A_123 = tpu.memref_slice %arg5[%dma_wait3A_115, %dma_wait3A_122] : memref<128x4xi32, #tpu.memory_space<vmem>> -> memref<1x4xi32, #tpu.memory_space<vmem>>
    %dma_wait3A_124 = tpu.memref_squeeze %dma_wait3A_123 : memref<1x4xi32, #tpu.memory_space<vmem>> -> memref<4xi32, #tpu.memory_space<vmem>>
    %dma_wait3A_125 = arith.constant 0 : i32
    %dma_wait3A_126 = arith.constant 0 : i32
    %dma_wait3A_127 = tpu.memref_slice %arg3[%dma_wait3A_125, %dma_wait3A_126] : memref<8192x8192xf32, #tpu.memory_space<hbm>> -> memref<8192x8192xf32, #tpu.memory_space<hbm>>
    %dma_wait3A_128 = tpu.memref_slice %arg7[%dma_wait3A_117] : memref<3x!tpu.dma_semaphore, #tpu.memory_space<semaphore_mem>> -> memref<1x!tpu.dma_semaphore, #tpu.memory_space<semaphore_mem>>
    %dma_wait3A_129 = tpu.memref_squeeze %dma_wait3A_128 : memref<1x!tpu.dma_semaphore, #tpu.memory_space<semaphore_mem>> -> memref<!tpu.dma_semaphore, #tpu.memory_space<semaphore_mem>>
    tpu.wait_indirect_dma semaphore(%dma_wait3A_129 : memref<!tpu.dma_semaphore, #tpu.memory_space<semaphore_mem>>) src(%dma_wait3A_127 : memref<8192x8192xf32, #tpu.memory_space<hbm>>) dst(%dma_wait3A_121 : memref<4x8192xf32, #tpu.memory_space<vmem>>)
    %add3A_130 = arith.constant 508 : i32
    %add3A_131 = arith.addi %mul3A_32, %add3A_130 : i32
    %dma_start3A_132 = arith.constant 1 : i32
    %dma_start3A_133 = arith.constant 1 : i32
    %dma_start3A_134 = arith.constant 0 : i32
    %dma_start3A_135 = arith.constant 0 : i32
    %dma_start3A_136 = tpu.memref_slice %arg6[%dma_start3A_132, %dma_start3A_134, %dma_start3A_135] : memref<3x4x8192xf32, #tpu.memory_space<vmem>> -> memref<1x4x8192xf32, #tpu.memory_space<vmem>>
    %dma_start3A_137 = tpu.memref_squeeze %dma_start3A_136 : memref<1x4x8192xf32, #tpu.memory_space<vmem>> -> memref<4x8192xf32, #tpu.memory_space<vmem>>
    %dma_start3A_138 = arith.constant 0 : i32
    %dma_start3A_139 = tpu.memref_slice %arg4[%select_n3A, %add3A_131, %dma_start3A_138] : memref<16x1024x8192xf32, #tpu.memory_space<hbm>> -> memref<1x4x8192xf32, #tpu.memory_space<hbm>>
    %dma_start3A_140 = tpu.memref_squeeze %dma_start3A_139 : memref<1x4x8192xf32, #tpu.memory_space<hbm>> -> memref<4x8192xf32, #tpu.memory_space<hbm>>
    %dma_start3A_141 = tpu.memref_slice %arg8[%dma_start3A_133] : memref<3x!tpu.dma_semaphore, #tpu.memory_space<semaphore_mem>> -> memref<1x!tpu.dma_semaphore, #tpu.memory_space<semaphore_mem>>
    %dma_start3A_142 = tpu.memref_squeeze %dma_start3A_141 : memref<1x!tpu.dma_semaphore, #tpu.memory_space<semaphore_mem>> -> memref<!tpu.dma_semaphore, #tpu.memory_space<semaphore_mem>>
    %dma_start3A_143 = arith.constant 0 : i32
    %dma_start3A_144 = tpu.memref_slice %arg4[%select_n3A, %add3A_131, %dma_start3A_143] : memref<16x1024x8192xf32, #tpu.memory_space<hbm>> -> memref<1x4x8192xf32, #tpu.memory_space<hbm>>
    %dma_start3A_145 = tpu.memref_squeeze %dma_start3A_144 : memref<1x4x8192xf32, #tpu.memory_space<hbm>> -> memref<4x8192xf32, #tpu.memory_space<hbm>>
    %dma_start3A_146 = arith.constant 0 : i32
    %dma_start3A_147 = arith.constant 0 : i32
    %dma_start3A_148 = tpu.memref_slice %arg6[%dma_start3A_132, %dma_start3A_146, %dma_start3A_147] : memref<3x4x8192xf32, #tpu.memory_space<vmem>> -> memref<1x4x8192xf32, #tpu.memory_space<vmem>>
    %dma_start3A_149 = tpu.memref_squeeze %dma_start3A_148 : memref<1x4x8192xf32, #tpu.memory_space<vmem>> -> memref<4x8192xf32, #tpu.memory_space<vmem>>
    tpu.enqueue_dma source(%dma_start3A_149 : memref<4x8192xf32, #tpu.memory_space<vmem>>) target(%dma_start3A_145 : memref<4x8192xf32, #tpu.memory_space<hbm>>) target_semaphore(%dma_start3A_142 : memref<!tpu.dma_semaphore, #tpu.memory_space<semaphore_mem>>)
    %add3A_150 = arith.constant 500 : i32
    %add3A_151 = arith.addi %mul3A_32, %add3A_150 : i32
    %dma_wait3A_152 = arith.constant 2 : i32
    %dma_wait3A_153 = arith.constant 2 : i32
    %dma_wait3A_154 = arith.constant 0 : i32
    %dma_wait3A_155 = arith.constant 0 : i32
    %dma_wait3A_156 = tpu.memref_slice %arg6[%dma_wait3A_152, %dma_wait3A_154, %dma_wait3A_155] : memref<3x4x8192xf32, #tpu.memory_space<vmem>> -> memref<1x4x8192xf32, #tpu.memory_space<vmem>>
    %dma_wait3A_157 = tpu.memref_squeeze %dma_wait3A_156 : memref<1x4x8192xf32, #tpu.memory_space<vmem>> -> memref<4x8192xf32, #tpu.memory_space<vmem>>
    %dma_wait3A_158 = arith.constant 0 : i32
    %dma_wait3A_159 = tpu.memref_slice %arg4[%select_n3A, %add3A_151, %dma_wait3A_158] : memref<16x1024x8192xf32, #tpu.memory_space<hbm>> -> memref<1x4x8192xf32, #tpu.memory_space<hbm>>
    %dma_wait3A_160 = tpu.memref_squeeze %dma_wait3A_159 : memref<1x4x8192xf32, #tpu.memory_space<hbm>> -> memref<4x8192xf32, #tpu.memory_space<hbm>>
    %dma_wait3A_161 = tpu.memref_slice %arg8[%dma_wait3A_153] : memref<3x!tpu.dma_semaphore, #tpu.memory_space<semaphore_mem>> -> memref<1x!tpu.dma_semaphore, #tpu.memory_space<semaphore_mem>>
    %dma_wait3A_162 = tpu.memref_squeeze %dma_wait3A_161 : memref<1x!tpu.dma_semaphore, #tpu.memory_space<semaphore_mem>> -> memref<!tpu.dma_semaphore, #tpu.memory_space<semaphore_mem>>
    %dma_wait3A_163 = arith.constant 0 : i32
    %dma_wait3A_164 = tpu.memref_slice %arg4[%select_n3A, %add3A_151, %dma_wait3A_163] : memref<16x1024x8192xf32, #tpu.memory_space<hbm>> -> memref<1x4x8192xf32, #tpu.memory_space<hbm>>
    %dma_wait3A_165 = tpu.memref_squeeze %dma_wait3A_164 : memref<1x4x8192xf32, #tpu.memory_space<hbm>> -> memref<4x8192xf32, #tpu.memory_space<hbm>>
    %dma_wait3A_166 = arith.constant 0 : i32
    %dma_wait3A_167 = arith.constant 0 : i32
    %dma_wait3A_168 = tpu.memref_slice %arg6[%dma_wait3A_152, %dma_wait3A_166, %dma_wait3A_167] : memref<3x4x8192xf32, #tpu.memory_space<vmem>> -> memref<1x4x8192xf32, #tpu.memory_space<vmem>>
    %dma_wait3A_169 = tpu.memref_squeeze %dma_wait3A_168 : memref<1x4x8192xf32, #tpu.memory_space<vmem>> -> memref<4x8192xf32, #tpu.memory_space<vmem>>
    tpu.wait_dma2 semaphore(%dma_wait3A_162 : memref<!tpu.dma_semaphore, #tpu.memory_space<semaphore_mem>>) src(%dma_wait3A_169 : memref<4x8192xf32, #tpu.memory_space<vmem>>) dst(%dma_wait3A_165 : memref<4x8192xf32, #tpu.memory_space<hbm>>)
    %add3A_170 = arith.constant 504 : i32
    %add3A_171 = arith.addi %mul3A_32, %add3A_170 : i32
    %dma_wait3A_172 = arith.constant 0 : i32
    %dma_wait3A_173 = arith.constant 0 : i32
    %dma_wait3A_174 = arith.constant 0 : i32
    %dma_wait3A_175 = arith.constant 0 : i32
    %dma_wait3A_176 = tpu.memref_slice %arg6[%dma_wait3A_172, %dma_wait3A_174, %dma_wait3A_175] : memref<3x4x8192xf32, #tpu.memory_space<vmem>> -> memref<1x4x8192xf32, #tpu.memory_space<vmem>>
    %dma_wait3A_177 = tpu.memref_squeeze %dma_wait3A_176 : memref<1x4x8192xf32, #tpu.memory_space<vmem>> -> memref<4x8192xf32, #tpu.memory_space<vmem>>
    %dma_wait3A_178 = arith.constant 0 : i32
    %dma_wait3A_179 = tpu.memref_slice %arg4[%select_n3A, %add3A_171, %dma_wait3A_178] : memref<16x1024x8192xf32, #tpu.memory_space<hbm>> -> memref<1x4x8192xf32, #tpu.memory_space<hbm>>
    %dma_wait3A_180 = tpu.memref_squeeze %dma_wait3A_179 : memref<1x4x8192xf32, #tpu.memory_space<hbm>> -> memref<4x8192xf32, #tpu.memory_space<hbm>>
    %dma_wait3A_181 = tpu.memref_slice %arg8[%dma_wait3A_173] : memref<3x!tpu.dma_semaphore, #tpu.memory_space<semaphore_mem>> -> memref<1x!tpu.dma_semaphore, #tpu.memory_space<semaphore_mem>>
    %dma_wait3A_182 = tpu.memref_squeeze %dma_wait3A_181 : memref<1x!tpu.dma_semaphore, #tpu.memory_space<semaphore_mem>> -> memref<!tpu.dma_semaphore, #tpu.memory_space<semaphore_mem>>
    %dma_wait3A_183 = arith.constant 0 : i32
    %dma_wait3A_184 = tpu.memref_slice %arg4[%select_n3A, %add3A_171, %dma_wait3A_183] : memref<16x1024x8192xf32, #tpu.memory_space<hbm>> -> memref<1x4x8192xf32, #tpu.memory_space<hbm>>
    %dma_wait3A_185 = tpu.memref_squeeze %dma_wait3A_184 : memref<1x4x8192xf32, #tpu.memory_space<hbm>> -> memref<4x8192xf32, #tpu.memory_space<hbm>>
    %dma_wait3A_186 = arith.constant 0 : i32
    %dma_wait3A_187 = arith.constant 0 : i32
    %dma_wait3A_188 = tpu.memref_slice %arg6[%dma_wait3A_172, %dma_wait3A_186, %dma_wait3A_187] : memref<3x4x8192xf32, #tpu.memory_space<vmem>> -> memref<1x4x8192xf32, #tpu.memory_space<vmem>>
    %dma_wait3A_189 = tpu.memref_squeeze %dma_wait3A_188 : memref<1x4x8192xf32, #tpu.memory_space<vmem>> -> memref<4x8192xf32, #tpu.memory_space<vmem>>
    tpu.wait_dma2 semaphore(%dma_wait3A_182 : memref<!tpu.dma_semaphore, #tpu.memory_space<semaphore_mem>>) src(%dma_wait3A_189 : memref<4x8192xf32, #tpu.memory_space<vmem>>) dst(%dma_wait3A_185 : memref<4x8192xf32, #tpu.memory_space<hbm>>)
    %add3A_190 = arith.constant 508 : i32
    %add3A_191 = arith.addi %mul3A_32, %add3A_190 : i32
    %dma_wait3A_192 = arith.constant 1 : i32
    %dma_wait3A_193 = arith.constant 1 : i32
    %dma_wait3A_194 = arith.constant 0 : i32
    %dma_wait3A_195 = arith.constant 0 : i32
    %dma_wait3A_196 = tpu.memref_slice %arg6[%dma_wait3A_192, %dma_wait3A_194, %dma_wait3A_195] : memref<3x4x8192xf32, #tpu.memory_space<vmem>> -> memref<1x4x8192xf32, #tpu.memory_space<vmem>>
    %dma_wait3A_197 = tpu.memref_squeeze %dma_wait3A_196 : memref<1x4x8192xf32, #tpu.memory_space<vmem>> -> memref<4x8192xf32, #tpu.memory_space<vmem>>
    %dma_wait3A_198 = arith.constant 0 : i32
    %dma_wait3A_199 = tpu.memref_slice %arg4[%select_n3A, %add3A_191, %dma_wait3A_198] : memref<16x1024x8192xf32, #tpu.memory_space<hbm>> -> memref<1x4x8192xf32, #tpu.memory_space<hbm>>
    %dma_wait3A_200 = tpu.memref_squeeze %dma_wait3A_199 : memref<1x4x8192xf32, #tpu.memory_space<hbm>> -> memref<4x8192xf32, #tpu.memory_space<hbm>>
    %dma_wait3A_201 = tpu.memref_slice %arg8[%dma_wait3A_193] : memref<3x!tpu.dma_semaphore, #tpu.memory_space<semaphore_mem>> -> memref<1x!tpu.dma_semaphore, #tpu.memory_space<semaphore_mem>>
    %dma_wait3A_202 = tpu.memref_squeeze %dma_wait3A_201 : memref<1x!tpu.dma_semaphore, #tpu.memory_space<semaphore_mem>> -> memref<!tpu.dma_semaphore, #tpu.memory_space<semaphore_mem>>
    %dma_wait3A_203 = arith.constant 0 : i32
    %dma_wait3A_204 = tpu.memref_slice %arg4[%select_n3A, %add3A_191, %dma_wait3A_203] : memref<16x1024x8192xf32, #tpu.memory_space<hbm>> -> memref<1x4x8192xf32, #tpu.memory_space<hbm>>
    %dma_wait3A_205 = tpu.memref_squeeze %dma_wait3A_204 : memref<1x4x8192xf32, #tpu.memory_space<hbm>> -> memref<4x8192xf32, #tpu.memory_space<hbm>>
    %dma_wait3A_206 = arith.constant 0 : i32
    %dma_wait3A_207 = arith.constant 0 : i32
    %dma_wait3A_208 = tpu.memref_slice %arg6[%dma_wait3A_192, %dma_wait3A_206, %dma_wait3A_207] : memref<3x4x8192xf32, #tpu.memory_space<vmem>> -> memref<1x4x8192xf32, #tpu.memory_space<vmem>>
    %dma_wait3A_209 = tpu.memref_squeeze %dma_wait3A_208 : memref<1x4x8192xf32, #tpu.memory_space<vmem>> -> memref<4x8192xf32, #tpu.memory_space<vmem>>
    tpu.wait_dma2 semaphore(%dma_wait3A_202 : memref<!tpu.dma_semaphore, #tpu.memory_space<semaphore_mem>>) src(%dma_wait3A_209 : memref<4x8192xf32, #tpu.memory_space<vmem>>) dst(%dma_wait3A_205 : memref<4x8192xf32, #tpu.memory_space<hbm>>)
    return
  }
}

</mosaic_0001>

<sc_bundles>
// kernel: kernel.3.cloned.1.call-start
scs
__scs_entry_jumppad:
0x0: {  	(pc) =	sbr.rel $0x88, $3  }
0x1: {  	(tag) =	ssettag $0x0;
	lr =	simm.s32 $0x1  }
0x2: {  	[smem:$0x3F9F] =	sst lr;
	_ =	strace $0xD0000000  }
0x3: {  	_ = 	snop  }
0x4: {  	_ = 	snop  }
0x5: {  	_ = 	snop  }
0x6: {  	_ = 	snop  }
0x7: {  	_ = 	snop  }
__scs_overlays_trampoline_lowered:
0x8: {  	[smem:$0x3FAE] =	sst s0  }
0x9: {  	[smem:$0x3FAF] =	sst s1  }
0xa: {  	[smem:$0x3FB0] =	sst s2  }
0xb: {  	[smem:$0x3FB1] =	sst s3  }
0xc: {  	[smem:$0x3FB2] =	sst s4  }
0xd: {  	[smem:$0x3FB3] =	sst s5  }
0xe: {  	[smem:$0x3FB4] =	sst s6  }
0xf: {  	[smem:$0x3FB5] =	sst s7  }
0x10: {  	[smem:$0x3FB6] =	sst s8  }
0x11: {  	[smem:$0x3FB7] =	sst s9;
	s0 =	simm.s32 @!p0 $0x0  }
0x12: {  	s1 =	sld [smem:$0x3F9D];
	s0 =	simm.s32 @p0 $0x1  }
0x13: {  	[smem:$0x3FB8] =	sst s0;
	s0 =	simm.s32 @!p1 $0x0  }
0x14: {  	s2 =	sld [smem:$0x3F9C];
	s0 =	simm.s32 @p1 $0x1  }
0x15: {  	[smem:$0x3FB9] =	sst s0;
	s0 =	simm.s32 @!p2 $0x0  }
0x16: {  	s3 =	sld [smem:$0x3FDB];
	s0 =	simm.s32 @p2 $0x1  }
0x17: {  	s4 =	simm.s32 $0x1BF5;
	[smem:$0x3FBB] =	sst s0  }
0x18: {  	s0 =	sld [smem:$0x3F9E];
	_ =	swait.ge [sflag:s4], $0x0  }
0x19: {  	s7 =	sld [smem:$0x3F9F]  }
0x1a: {  	s8 =	sadd.s32 $0xFFFFE003, lr  }
0x1b: {  	s9 =	sadd.s32 $0xFFFFFEF7, lr;
	s5 =	simm.s32 $0xFFFFFFFF;
	p2 =	slt.u32 s8, $0xFFFFF086  }
0x1c: {  	p1 =	slt.u32 s9, $0xF7A;
	s5 =	simm.s32 @!p2 $0x0  }
0x1d: {  	s5 =	simm.s32 @p1 $0x1;
	p0 =	seq.s32 s7, s2  }
0x1e: {  	s7 =	smul.u32 @!p0 $0xF7A, s2;
	p2 =	seq.s32 @!p0 s5, $0x0  }
0x1f: {  	s9 =	smul.u32 $0xF7A, s1;
	s8 =	simm.s32 @!p0 $0x1BF5;
	p2 =	por !p2, p0  }
0x20: {  	[sflag:s8] =	ssyncset.s32 @!p0 $0xFFFFF086;
	s6 =	sadd.s32 @!p0 s3, s7;
	s7 =	simm.s32 @!p0 $0x108  }
0x21: {  	s3 =	sadd.s32 s3, s9;
	s6 =	sadd.s32 @!p0 $0x88, s6;
	s7 =	simm.s32 @p2 $0x1082  }
0x22: {  	[simem:s7], [sflag:s8] =	dma.local @!p0 [hbm:s6], $0xF7A  }
0x23: {  	s9 =	sor.u32 $0xD0000000, s2;
	s6 =	simm.s32 $0x108;
	_ =	swait.ge @!p0 [sflag:s8], $0x0  }
0x24: {  	s3 =	sadd.s32 $0x88, s3;
	s6 =	simm.s32 @!p1 $0x1082;
	[sflag:s4] =	ssyncset.s32 $0xFFFFF086  }
0x25: {  	[simem:s6], [sflag:s4] =	dma.local [hbm:s3], $0xF7A  }
0x26: {  	[smem:$0x3F9F] =	sst s1;
	(tag) =	ssettag s2;
	_ =	strace s9  }
0x27: {  	s1 =	sld [smem:$0x3FAF]  }
0x28: {  	s2 =	sld [smem:$0x3FB0]  }
0x29: {  	s4 =	sld [smem:$0x3FB2]  }
0x2a: {  	p0 =	seq.s32 s5, $0x0;
	s5 =	sld [smem:$0x3FB3]  }
0x2b: {  	s6 =	sld [smem:$0x3FB4]  }
0x2c: {  	s7 =	sld [smem:$0x3FB5]  }
0x2d: {  	s3 =	simm.s32 $0x108;
	s8 =	sld [smem:$0x3FB6]  }
0x2e: {  	s3 =	simm.s32 @!p0 $0x1082;
	s9 =	sld [smem:$0x3FB7]  }
0x2f: {  	lr =	sadd.s32 s0, s3;
	s0 =	sld [smem:$0x3FAE]  }
0x30: {  	s3 =	sld [smem:$0x3FB1]  }
0x31: {  	[smem:$0x3FBA] =	sst s10  }
0x32: {  	s10 =	sld [smem:$0x3FB8];
	_ =	sdelay $0x3  }
0x33: {  	p0 =	seq.s32 s10, $0x1;
	s10 =	sld [smem:$0x3FBA];
	_ =	sdelay $0x3  }
0x34: {  	[smem:$0x3FBA] =	sst s10  }
0x35: {  	s10 =	sld [smem:$0x3FB9];
	_ =	sdelay $0x3  }
0x36: {  	p1 =	seq.s32 s10, $0x1;
	s10 =	sld [smem:$0x3FBA];
	_ =	sdelay $0x3  }
0x37: {  	[smem:$0x3FBA] =	sst s10  }
0x38: {  	s10 =	sld [smem:$0x3FBB]  }
0x39: {  	_ = 	snop;
	(pc) =	sbr.ind lr, $3  }
0x3a: {  	_ = 	snop  }
0x3b: {  	_ = 	snop  }
0x3c: {  	p2 =	seq.s32 s10, $0x1;
	s10 =	sld [smem:$0x3FBA]  }
0x3d: {  	_ =	shalt  }
0x3e: {  	_ =	shalt  }
0x3f: {  	_ =	shalt  }
0x40: {  	_ =	shalt  }
0x41: {  	_ =	shalt  }
0x42: {  	_ =	shalt  }
0x43: {  	_ =	shalt  }
0x44: {  	_ =	shalt  }
0x45: {  	_ =	shalt  }
0x46: {  	_ =	shalt  }
0x47: {  	_ =	shalt  }
0x48: {  	_ =	shalt  }
0x49: {  	_ =	shalt  }
0x4a: {  	_ =	shalt  }
0x4b: {  	_ =	shalt  }
0x4c: {  	_ =	shalt  }
0x4d: {  	_ =	shalt  }
0x4e: {  	_ =	shalt  }
0x4f: {  	_ =	shalt  }
0x50: {  	_ =	shalt  }
0x51: {  	_ =	shalt  }
0x52: {  	_ =	shalt  }
0x53: {  	_ =	shalt  }
0x54: {  	_ =	shalt  }
0x55: {  	_ =	shalt  }
0x56: {  	_ =	shalt  }
0x57: {  	_ =	shalt  }
0x58: {  	_ =	shalt  }
0x59: {  	_ =	shalt  }
0x5a: {  	_ =	shalt  }
0x5b: {  	_ =	shalt  }
0x5c: {  	_ =	shalt  }
0x5d: {  	_ =	shalt  }
0x5e: {  	_ =	shalt  }
0x5f: {  	_ =	shalt  }
0x60: {  	_ =	shalt  }
0x61: {  	_ =	shalt  }
0x62: {  	_ =	shalt  }
0x63: {  	_ =	shalt  }
0x64: {  	_ =	shalt  }
0x65: {  	_ =	shalt  }
0x66: {  	_ =	shalt  }
0x67: {  	_ =	shalt  }
0x68: {  	_ =	shalt  }
0x69: {  	_ =	shalt  }
0x6a: {  	_ =	shalt  }
0x6b: {  	_ =	shalt  }
0x6c: {  	_ =	shalt  }
0x6d: {  	_ =	shalt  }
0x6e: {  	_ =	shalt  }
0x6f: {  	_ =	shalt  }
0x70: {  	_ =	shalt  }
0x71: {  	_ =	shalt  }
0x72: {  	_ =	shalt  }
0x73: {  	_ =	shalt  }
0x74: {  	_ =	shalt  }
0x75: {  	_ =	shalt  }
0x76: {  	_ =	shalt  }
0x77: {  	_ =	shalt  }
0x78: {  	_ =	shalt  }
0x79: {  	_ =	shalt  }
0x7a: {  	_ =	shalt  }
0x7b: {  	_ =	shalt  }
0x7c: {  	_ =	shalt  }
0x7d: {  	_ =	shalt  }
0x7e: {  	_ =	shalt  }
0x7f: {  	_ =	shalt  }
0x80: {  	_ =	shalt  }
0x81: {  	_ =	shalt  }
0x82: {  	_ =	shalt  }
0x83: {  	_ =	shalt  }
0x84: {  	_ =	shalt  }
0x85: {  	_ =	shalt  }
0x86: {  	_ =	shalt  }
0x87: {  	_ =	shalt  }
.Lfunc_end0:
.L_simem_size_0:
called_computation_lowered:
.L_overlay_start_0:
0x88: {  	s2 =	sld [smem:$0x3FD9]  }
0x89: {  	s3 =	sld [smem:$0x3FFE];
	_ =	sdelay $0x1  }
0x8a: {  	s1 =	srdreg.scid  }
0x8b: {  	s0 =	sand.u32 $0x1, s1  }
0x8c: {  	s17 =	sshll.u32 s0, $0xA;
	s2 =	sadd.s32 s3, s2  }
0x8d: {  	s2 =	sadd.s32 s2, s17  }
0x8e: {  	[smem:$0x3FC6] =	sst s2  }
0x8f: {  	_ = 	snop  }
0x90: {  	s2 =	sld [smem:$0x3FC8]  }
0x91: {  	s18 =	sld [smem:$0x3FD0];
	(tm) =	ssettm $0x1  }
0x92: {  	s4 =	sld [smem:$0x3FFB];
	_ =	sdelay $0x3  }
0x93: {  	_ =	strace s4  }
0x94: {  	s4 =	sld [smem:$0x3FFC];
	_ =	sdelay $0x3  }
0x95: {  	_ =	strace s4  }
0x96: {  	s4 =	sld [smem:$0x3FFD];
	_ =	sdelay $0x3  }
0x97: {  	_ =	strace s4  }
0x98: {  	_ =	strace $0x8FFFFFFF  }
0x99: {  	s19 =	sld [smem:$0x3FDB];
	_ =	sdelay $0x1  }
0x9a: {  	s5 =	simm.s32 $_scs_section_size  }
0x9b: {  	s6 =	simm.s32 $_size__tile_overlayer_lowered;
	s7 =	simm.s32 $_tile_overlayer_lowered  }
0x9c: {  	s22 =	simm.s32 $0x1BFF;
	s21 =	sshll.u32 s7, $0x1;
	s4 =	sadd.s32 s5, s19  }
0x9d: {  	s8 =	simm.s32 $0x0;
	s20 =	sshll.u32 s6, $0x1;
	s6 =	sadd.s32 s21, s4  }
0x9e: {  	[timem:s8], [sflag:s22] =	dma.local [hbm:s6], s20  }
0x9f: {  	_ =	swait.ge [sflag:s22], s20  }
0xa0: {  	s5 =	ssub.s32 $0x0, s20;
	[sflag:s22] =	ssyncset.done $0x0  }
0xa1: {  	[sflag:s22] =	ssyncadd.s32 s5;
	_ =	sdelay $0x1  }
0xa2: {  	s23 =	simm.s32 $0x1B8B  }
0xa3: {  	_ =	swait.ge [sflag:s23], $0x1  }
0xa4: {  	[sflag:s23] =	ssyncset.done $0x0  }
0xa5: {  	s25 =	simm.s32 $0x1B8E;
	s24 =	sld [smem:$0x3FFE];
	[sflag:s23] =	ssyncadd.s32 $0xFFFFFFFF  }
0xa6: {  	s26 =	simm.s32 $execute0_lowered;
	[smem:$0x3FD2] =	sst s25  }
0xa7: {  	s6 =	sshll.u32 s26, $0x1;
	_ =	strace $0x80000046;
	[dreg:$0x1] =	wrdreg $0xFFFFFFFF  }
0xa8: {  	s28 =	simm.s32 $_size_execute0_lowered;
	s4 =	sadd.s32 s4, s6;
	[dreg:$0x0] =	wrdreg $0x0  }
0xa9: {  	s6 =	sshll.u32 s28, $0x1;
	[dreg:$0x2] =	wrdreg s4  }
0xaa: {  	[dreg:$0x3] =	wrdreg s6  }
0xab: {  	[dreg:$0x4] =	wrdreg $0xC0  }
0xac: {  	_ =	task [dreg:s8], $0x5FFFF  }
0xad: {  	[dreg:$0x1] =	wrdreg $0xFFFFFFFF  }
0xae: {  	[dreg:$0x0] =	wrdreg $0x60  }
0xaf: {  	[dreg:$0x2] =	wrdreg s24  }
0xb0: {  	[dreg:$0x3] =	wrdreg s2  }
0xb1: {  	[dreg:$0x4] =	wrdreg s18  }
0xb2: {  	[dreg:$0x5] =	wrdreg $0x9  }
0xb3: {  	_ =	task.clear_ibuf [dreg:s8], $0x6FFFF;
	_ =	strace $0x90000046  }
0xb4: {  	s29 =	simm.s32 $0x9;
	_ =	strace $0x80000048  }
0xb5: {  	_ =	swait.ge [sflag:s29], $0x1  }
0xb6: {  	[sflag:s29] =	ssyncadd.s32 $0xFFFFFFFF  }
0xb7: {  	_ =	strace $0x90000048  }
0xb8: {  	_ =	sfence  }
0xb9: {  	s30 =	sld [smem:$0x0];
	_ =	sdelay $0x2  }
0xba: {  	s31 =	sshll.u32 s1, $0xD;
	s1 =	sshrl.u32 s1, $0x2  }
0xbb: {  	s3 =	sand.u32 $0x4000, s31;
	s1 =	sadd.s32 s1, s30  }
0xbc: {  	s0 =	sor.u32 s3, s0;
	s1 =	sshll.u32 s1, $0x11  }
0xbd: {  	s0 =	sor.u32 s1, s0  }
0xbe: {  	s0 =	sadd.s32 $0x8F2B, s0  }
0xbf: {  	[sflag:s0] =	ssyncadd.remote.s32 $0x1  }
0xc0: {  	_ =	sfence.sel $0xFFFF  }
0xc1: {  	[dreg:$0x0] =	wrdreg $0xFFFFFFFF;
	(pc) =	sbr.abs _section_cstart, $3  }
0xc2: {  	[dreg:$0x1] =	wrdreg $0xFFFFFFFF  }
0xc3: {  	_ =	task.clear_ibuf [dreg:s8], $0x2FFFF;
	_ =	strace $0x9FFFFFFF  }
0xc4: {  	(tm) =	ssettm $0x7FFFFFFF  }
0xc5: {  	_ =	shalt  }
tec
execute0_lowered:
.L_overlay_start_1:
0x0: {  	(tag) =	ssettag $0x1  }
0x1: {  	s0 =	rddreg [dreg:$0x0]  }
0x2: {  	s8 =	rddreg [dreg:$0x1]  }
0x3: {  	s23 =	rddreg [dreg:$0x2]  }
0x4: {  	s1 =	srdreg.scid;
	s2 =	stileid.u32;
	s4 =	simm.s32 $0x0  }
0x5: {  	s7 =	simm.s32 $0x1;
	s1 =	sand.u32 $0x1, s1;
	s3 =	sshll.u32 s2, $0x1  }
0x6: {  	s28 =	simm.s32 $0x2;
	[smem:$0x7FF] =	sst s4;
	s3 =	sor.u32 s1, s3  }
0x7: {  	_ =	strace $0x80000047;
	p1 =	seq.s32 s1, $0x1;
	s5 =	ssub.s32 $0x2, s1  }
0x8: {  	s29 =	sshll.u32 s1, $0x16;
	p0 =	seq.s32 s3, $0x0;
	s3 =	sshll.u32 s3, $0xB  }
0x9: {  	s6 =	sshrl.u32 s5, $0x1;
	p0 =	por !p0, !p1;
	s0 =	sadd.s32 s3, s0  }
0xa: {  	s25 =	ssub.s32 s5, s6;
	s5 =	smov.u32 s8;
	s3 =	simm.s32 $0x14000  }
0xb: {  	s6 =	simm.s32 $0x5;
	p0 =	por !p0, !p0;
	s0 =	sadd.s32 $0x400, s0  }
0xc: {  	s9 =	sadd.s32 $0x600, s5;
	s10 =	sadd.s32 $0x800, s5;
	s11 =	sadd.s32 $0xA00, s5  }
0xd: {  	s12 =	sadd.s32 $0xC00, s5;
	s13 =	sadd.s32 $0xE00, s5;
	s15 =	sadd.s32 $0x1000, s5  }
0xe: {  	s16 =	sadd.s32 $0x1200, s5;
	s17 =	sadd.s32 $0x1400, s5;
	s18 =	sadd.s32 $0x1600, s5  }
0xf: {  	s19 =	sadd.s32 $0x1800, s5;
	s20 =	sadd.s32 $0x1A00, s5;
	s7 =	simm.s32 @!p0 $0x0  }
0x10: {  	s21 =	sadd.s32 $0x1C00, s5;
	s22 =	sadd.s32 $0x1E00, s5;
	s26 =	ssub.s32 s2, s7  }
0x11: {  	s30 =	smax.u32 s25, $0x1;
	[dreg:$0x4] =	wrdreg s0;
	s14 =	sshll.u32 s26, $0x17  }
0x12: {  	s25 =	simm.s32 $0x200;
	[dreg:$0x6] =	wrdreg s30;
	s1 =	sor.u32 s14, s29  }
.Ltmp0:
0x13: {  	s0 =	sor.u32 $0x10000, s29;
	s1 =	sor.u32 $0x3F0000, s1;
	(pc) =	sbr.rel .LBB2_1-.Ltmp0, $4  }
0x14: {  	s7 =	sadd.s32 $0x200, s8;
	s8 =	sadd.s32 $0x400, s8;
	s1 =	sshrl.u32 s1, $0x3  }
0x15: {  	v0 =	vlaneseq.u32;
	[dreg:$0x7] =	wrdreg s0;
	s2 =	simm.s32 $0x4000;
	s1 =	sadd.s32 s23, s1  }
0x16: {  	v1 =	vshrl.u32 v0, $0x2;
	s26 =	simm.s32 $0x400;
	[dreg:$0x5] =	wrdreg s1;
	s31 =	sadd.s32 $0x40, s1  }
0x17: {  	vm0 =	vmmov $0xffff;
	v0 =	vand.u32 $0x3, v0;
	v1 =	vmul.u32 $0x8, v1;
	s23 =	simm.s32 $0x0;
	s1 =	simm.s32 $0xC000;
	[dreg:$0x8] =	wrdreg s31  }
.LBB2_4:
0x18: {  	s0 =	simm.s32 $0x1  }
0x19: {  	_ =	swait.ge [sflag:s0], $0x8000  }
0x1a: {  	s2 =	simm.s32 $0x4000;
	s23 =	simm.s32 $0x200;
	[sflag:s0] =	ssyncset.done $0x0  }
0x1b: {  	s24 =	simm.s32 $0x400;
	s30 =	rddreg [dreg:$0x5];
	[sflag:s0] =	ssyncadd.s32 $0xFFFF8000  }
0x1c: {  	[hbm4b:s30+s23] =	stream.strided.scatter [tilespmem:s2], [sflag:$0x4], $0x8000, s24, s23, $0x38;
	[tilespmem:$0x1C000] =	vst v63  }
0x1d: {  	_ =	swait.ge [sflag:s28], $0x8000  }
0x1e: {  	[sflag:s28] =	ssyncset.done $0x0  }
0x1f: {  	s31 =	rddreg [dreg:$0x8];
	[sflag:s28] =	ssyncadd.s32 $0xFFFF8000  }
0x20: {  	[hbm4b:s31+s23] =	stream.strided.scatter [tilespmem:s1], [sflag:$0x5], $0x8000, s24, s23, $0x38;
	[tilespmem:$0x1C000] =	vst v63  }
0x21: {  	s24 =	simm.s32 $0x6  }
0x22: {  	_ =	swait.ge [sflag:s24], $0x8000  }
0x23: {  	[sflag:s24] =	ssyncset.done $0x0  }
0x24: {  	s29 =	simm.s32 $0x4;
	[sflag:s24] =	ssyncadd.s32 $0xFFFF8000  }
0x25: {  	_ =	swait.ge [sflag:s29], $0x8000  }
0x26: {  	[sflag:s29] =	ssyncset.done $0x0  }
0x27: {  	[sflag:s29] =	ssyncadd.s32 $0xFFFF8000  }
0x28: {  	_ =	swait.ge [sflag:s6], $0x8000  }
0x29: {  	s30 =	rddreg [dreg:$0x9]  }
0x2a: {  	s31 =	rddreg [dreg:$0x6];
	s23 =	sadd.s32 $0x1, s30  }
0x2b: {  	p0 =	sne.s32 s23, s31  }
.Ltmp1:
0x2c: {  	_ = 	snop;
	(pc) =	sbr.rel @!p0 .LBB2_5-.Ltmp1, $3  }
0x2d: {  	_ =	sdelay $0x1  }
0x2e: {  	[sflag:s6] =	ssyncset.done $0x0  }
0x2f: {  	[sflag:s6] =	ssyncadd.s32 $0xFFFF8000  }
.LBB2_1:
0x30: {  	[dreg:$0x9] =	wrdreg s23  }
0x31: {  	s0 =	rddreg [dreg:$0x4];
	s23 =	simm.s32 $0x7  }
0x32: {  	[tilespmem:s4], [sflag:$0x7] =	stream.linear.gather [hbm4b:s0+s4], $0x4000, $0x38;
	[tilespmem:$0x1C000] =	vst v63  }
0x33: {  	_ =	swait.ge [sflag:s23], $0x4000  }
0x34: {  	[sflag:s23] =	ssyncset.done $0x0  }
0x35: {  	[sflag:s23] =	ssyncadd.s32 $0xFFFFC000  }
0x36: {  	v2 =	vld.msk [tilespmem:$0x0], $0xf;
	_ =	sdelay $0x4  }
0x37: {  	v3 =	vshll.u32 v2, $0x6  }
0x38: {  	v2 =	vand.u32 $0x7, v2;
	v3 =	vand.u32 $0xFFFFFE00, v3  }
0x39: {  	v2 =	vor.u32 v2, v3  }
0x3a: {  	v2 =	vperm.xlane v2, v0;
	_ =	sdelay $0x1  }
0x3b: {  	v2 =	vadd.s32 v1, v2;
	_ =	sdelay $0x4  }
0x3c: {  	[tilespmem:s2], [sflag:$0x1] =	stream.indirect_vreg.gather [hbm4b:s5+s4], $0x80, v2, vm0, $0xb8;
	[tilespmem:$0x1C000] =	vst v63  }
0x3d: {  	s24 =	simm.s32 $0x4800  }
0x3e: {  	[tilespmem:s24], [sflag:$0x1] =	stream.indirect_vreg.gather [hbm4b:s7+s4], $0x80, v2, vm0, $0xb8;
	[tilespmem:$0x1C000] =	vst v63  }
0x3f: {  	s23 =	simm.s32 $0x5000  }
0x40: {  	[tilespmem:s23], [sflag:$0x1] =	stream.indirect_vreg.gather [hbm4b:s8+s4], $0x80, v2, vm0, $0xb8;
	[tilespmem:$0x1C000] =	vst v63  }
0x41: {  	s24 =	simm.s32 $0x5800  }
0x42: {  	[tilespmem:s24], [sflag:$0x1] =	stream.indirect_vreg.gather [hbm4b:s9+s4], $0x80, v2, vm0, $0xb8;
	[tilespmem:$0x1C000] =	vst v63  }
0x43: {  	s23 =	simm.s32 $0x6000  }
0x44: {  	[tilespmem:s23], [sflag:$0x1] =	stream.indirect_vreg.gather [hbm4b:s10+s4], $0x80, v2, vm0, $0xb8;
	[tilespmem:$0x1C000] =	vst v63  }
0x45: {  	s24 =	simm.s32 $0x6800  }
0x46: {  	[tilespmem:s24], [sflag:$0x1] =	stream.indirect_vreg.gather [hbm4b:s11+s4], $0x80, v2, vm0, $0xb8;
	[tilespmem:$0x1C000] =	vst v63  }
0x47: {  	s23 =	simm.s32 $0x7000  }
0x48: {  	[tilespmem:s23], [sflag:$0x1] =	stream.indirect_vreg.gather [hbm4b:s12+s4], $0x80, v2, vm0, $0xb8;
	[tilespmem:$0x1C000] =	vst v63  }
0x49: {  	s24 =	simm.s32 $0x7800  }
0x4a: {  	[tilespmem:s24], [sflag:$0x1] =	stream.indirect_vreg.gather [hbm4b:s13+s4], $0x80, v2, vm0, $0xb8;
	[tilespmem:$0x1C000] =	vst v63  }
0x4b: {  	s23 =	simm.s32 $0x8000  }
0x4c: {  	[tilespmem:s23], [sflag:$0x1] =	stream.indirect_vreg.gather [hbm4b:s15+s4], $0x80, v2, vm0, $0xb8;
	[tilespmem:$0x1C000] =	vst v63  }
0x4d: {  	s24 =	simm.s32 $0x8800  }
0x4e: {  	[tilespmem:s24], [sflag:$0x1] =	stream.indirect_vreg.gather [hbm4b:s16+s4], $0x80, v2, vm0, $0xb8;
	[tilespmem:$0x1C000] =	vst v63  }
0x4f: {  	s23 =	simm.s32 $0x9000  }
0x50: {  	[tilespmem:s23], [sflag:$0x1] =	stream.indirect_vreg.gather [hbm4b:s17+s4], $0x80, v2, vm0, $0xb8;
	[tilespmem:$0x1C000] =	vst v63  }
0x51: {  	s24 =	simm.s32 $0x9800  }
0x52: {  	[tilespmem:s24], [sflag:$0x1] =	stream.indirect_vreg.gather [hbm4b:s18+s4], $0x80, v2, vm0, $0xb8;
	[tilespmem:$0x1C000] =	vst v63  }
0x53: {  	s23 =	simm.s32 $0xA000  }
0x54: {  	[tilespmem:s23], [sflag:$0x1] =	stream.indirect_vreg.gather [hbm4b:s19+s4], $0x80, v2, vm0, $0xb8;
	[tilespmem:$0x1C000] =	vst v63  }
0x55: {  	s24 =	simm.s32 $0xA800  }
0x56: {  	[tilespmem:s24], [sflag:$0x1] =	stream.indirect_vreg.gather [hbm4b:s20+s4], $0x80, v2, vm0, $0xb8;
	[tilespmem:$0x1C000] =	vst v63  }
0x57: {  	s23 =	simm.s32 $0xB000  }
0x58: {  	[tilespmem:s23], [sflag:$0x1] =	stream.indirect_vreg.gather [hbm4b:s21+s4], $0x80, v2, vm0, $0xb8;
	[tilespmem:$0x1C000] =	vst v63  }
0x59: {  	s24 =	simm.s32 $0xB800  }
0x5a: {  	[tilespmem:s24], [sflag:$0x1] =	stream.indirect_vreg.gather [hbm4b:s22+s4], $0x80, v2, vm0, $0xb8;
	[tilespmem:$0x1C000] =	vst v63  }
0x5b: {  	v2 =	vld.msk [tilespmem:$0x80], $0xf;
	_ =	sdelay $0x4  }
0x5c: {  	v3 =	vshll.u32 v2, $0x6  }
0x5d: {  	v2 =	vand.u32 $0x7, v2;
	v3 =	vand.u32 $0xFFFFFE00, v3  }
0x5e: {  	v2 =	vor.u32 v2, v3  }
0x5f: {  	v2 =	vperm.xlane v2, v0;
	_ =	sdelay $0x1  }
0x60: {  	v2 =	vadd.s32 v1, v2;
	_ =	sdelay $0x4  }
0x61: {  	[tilespmem:s1], [sflag:$0x2] =	stream.indirect_vreg.gather [hbm4b:s5+s4], $0x80, v2, vm0, $0xb8;
	[tilespmem:$0x1C000] =	vst v63  }
0x62: {  	s23 =	simm.s32 $0xC800  }
0x63: {  	[tilespmem:s23], [sflag:$0x2] =	stream.indirect_vreg.gather [hbm4b:s7+s4], $0x80, v2, vm0, $0xb8;
	[tilespmem:$0x1C000] =	vst v63  }
0x64: {  	s24 =	simm.s32 $0xD000  }
0x65: {  	[tilespmem:s24], [sflag:$0x2] =	stream.indirect_vreg.gather [hbm4b:s8+s4], $0x80, v2, vm0, $0xb8;
	[tilespmem:$0x1C000] =	vst v63  }
0x66: {  	s1 =	simm.s32 $0xD800  }
0x67: {  	[tilespmem:s1], [sflag:$0x2] =	stream.indirect_vreg.gather [hbm4b:s9+s4], $0x80, v2, vm0, $0xb8;
	[tilespmem:$0x1C000] =	vst v63  }
0x68: {  	s23 =	simm.s32 $0xE000  }
0x69: {  	[tilespmem:s23], [sflag:$0x2] =	stream.indirect_vreg.gather [hbm4b:s10+s4], $0x80, v2, vm0, $0xb8;
	[tilespmem:$0x1C000] =	vst v63  }
0x6a: {  	s24 =	simm.s32 $0xE800  }
0x6b: {  	[tilespmem:s24], [sflag:$0x2] =	stream.indirect_vreg.gather [hbm4b:s11+s4], $0x80, v2, vm0, $0xb8;
	[tilespmem:$0x1C000] =	vst v63  }
0x6c: {  	s1 =	simm.s32 $0xF000  }
0x6d: {  	[tilespmem:s1], [sflag:$0x2] =	stream.indirect_vreg.gather [hbm4b:s12+s4], $0x80, v2, vm0, $0xb8;
	[tilespmem:$0x1C000] =	vst v63  }
0x6e: {  	s23 =	simm.s32 $0xF800  }
0x6f: {  	[tilespmem:s23], [sflag:$0x2] =	stream.indirect_vreg.gather [hbm4b:s13+s4], $0x80, v2, vm0, $0xb8;
	[tilespmem:$0x1C000] =	vst v63  }
0x70: {  	s24 =	simm.s32 $0x10000  }
0x71: {  	[tilespmem:s24], [sflag:$0x2] =	stream.indirect_vreg.gather [hbm4b:s15+s4], $0x80, v2, vm0, $0xb8;
	[tilespmem:$0x1C000] =	vst v63  }
0x72: {  	s1 =	simm.s32 $0x10800  }
0x73: {  	[tilespmem:s1], [sflag:$0x2] =	stream.indirect_vreg.gather [hbm4b:s16+s4], $0x80, v2, vm0, $0xb8;
	[tilespmem:$0x1C000] =	vst v63  }
0x74: {  	s23 =	simm.s32 $0x11000  }
0x75: {  	[tilespmem:s23], [sflag:$0x2] =	stream.indirect_vreg.gather [hbm4b:s17+s4], $0x80, v2, vm0, $0xb8;
	[tilespmem:$0x1C000] =	vst v63  }
0x76: {  	s24 =	simm.s32 $0x11800  }
0x77: {  	[tilespmem:s24], [sflag:$0x2] =	stream.indirect_vreg.gather [hbm4b:s18+s4], $0x80, v2, vm0, $0xb8;
	[tilespmem:$0x1C000] =	vst v63  }
0x78: {  	s1 =	simm.s32 $0x12000  }
0x79: {  	[tilespmem:s1], [sflag:$0x2] =	stream.indirect_vreg.gather [hbm4b:s19+s4], $0x80, v2, vm0, $0xb8;
	[tilespmem:$0x1C000] =	vst v63  }
0x7a: {  	s23 =	simm.s32 $0x12800  }
0x7b: {  	[tilespmem:s23], [sflag:$0x2] =	stream.indirect_vreg.gather [hbm4b:s20+s4], $0x80, v2, vm0, $0xb8;
	[tilespmem:$0x1C000] =	vst v63  }
0x7c: {  	s24 =	simm.s32 $0x13000  }
0x7d: {  	[tilespmem:s24], [sflag:$0x2] =	stream.indirect_vreg.gather [hbm4b:s21+s4], $0x80, v2, vm0, $0xb8;
	[tilespmem:$0x1C000] =	vst v63  }
0x7e: {  	s1 =	simm.s32 $0x13800  }
0x7f: {  	[tilespmem:s1], [sflag:$0x2] =	stream.indirect_vreg.gather [hbm4b:s22+s4], $0x80, v2, vm0, $0xb8;
	[tilespmem:$0x1C000] =	vst v63  }
0x80: {  	v2 =	vld.msk [tilespmem:$0x100], $0xf;
	_ =	sdelay $0x4  }
0x81: {  	v3 =	vshll.u32 v2, $0x6  }
0x82: {  	v2 =	vand.u32 $0x7, v2;
	v3 =	vand.u32 $0xFFFFFE00, v3  }
0x83: {  	v2 =	vor.u32 v2, v3  }
0x84: {  	v2 =	vperm.xlane v2, v0;
	_ =	sdelay $0x1  }
0x85: {  	v2 =	vadd.s32 v1, v2;
	_ =	sdelay $0x4  }
0x86: {  	[tilespmem:s3], [sflag:$0x3] =	stream.indirect_vreg.gather [hbm4b:s5+s4], $0x80, v2, vm0, $0xb8;
	[tilespmem:$0x1C000] =	vst v63  }
0x87: {  	s3 =	simm.s32 $0x14800  }
0x88: {  	[tilespmem:s3], [sflag:$0x3] =	stream.indirect_vreg.gather [hbm4b:s7+s4], $0x80, v2, vm0, $0xb8;
	[tilespmem:$0x1C000] =	vst v63  }
0x89: {  	s23 =	simm.s32 $0x15000  }
0x8a: {  	[tilespmem:s23], [sflag:$0x3] =	stream.indirect_vreg.gather [hbm4b:s8+s4], $0x80, v2, vm0, $0xb8;
	[tilespmem:$0x1C000] =	vst v63  }
0x8b: {  	s24 =	simm.s32 $0x15800  }
0x8c: {  	[tilespmem:s24], [sflag:$0x3] =	stream.indirect_vreg.gather [hbm4b:s9+s4], $0x80, v2, vm0, $0xb8;
	[tilespmem:$0x1C000] =	vst v63  }
0x8d: {  	s1 =	simm.s32 $0x16000  }
0x8e: {  	[tilespmem:s1], [sflag:$0x3] =	stream.indirect_vreg.gather [hbm4b:s10+s4], $0x80, v2, vm0, $0xb8;
	[tilespmem:$0x1C000] =	vst v63  }
0x8f: {  	s3 =	simm.s32 $0x16800  }
0x90: {  	[tilespmem:s3], [sflag:$0x3] =	stream.indirect_vreg.gather [hbm4b:s11+s4], $0x80, v2, vm0, $0xb8;
	[tilespmem:$0x1C000] =	vst v63  }
0x91: {  	s23 =	simm.s32 $0x17000  }
0x92: {  	[tilespmem:s23], [sflag:$0x3] =	stream.indirect_vreg.gather [hbm4b:s12+s4], $0x80, v2, vm0, $0xb8;
	[tilespmem:$0x1C000] =	vst v63  }
0x93: {  	s24 =	simm.s32 $0x17800  }
0x94: {  	[tilespmem:s24], [sflag:$0x3] =	stream.indirect_vreg.gather [hbm4b:s13+s4], $0x80, v2, vm0, $0xb8;
	[tilespmem:$0x1C000] =	vst v63  }
0x95: {  	s1 =	simm.s32 $0x18000  }
0x96: {  	[tilespmem:s1], [sflag:$0x3] =	stream.indirect_vreg.gather [hbm4b:s15+s4], $0x80, v2, vm0, $0xb8;
	[tilespmem:$0x1C000] =	vst v63  }
0x97: {  	s3 =	simm.s32 $0x18800  }
0x98: {  	[tilespmem:s3], [sflag:$0x3] =	stream.indirect_vreg.gather [hbm4b:s16+s4], $0x80, v2, vm0, $0xb8;
	[tilespmem:$0x1C000] =	vst v63  }
0x99: {  	s23 =	simm.s32 $0x19000  }
0x9a: {  	[tilespmem:s23], [sflag:$0x3] =	stream.indirect_vreg.gather [hbm4b:s17+s4], $0x80, v2, vm0, $0xb8;
	[tilespmem:$0x1C000] =	vst v63  }
0x9b: {  	s24 =	simm.s32 $0x19800  }
0x9c: {  	[tilespmem:s24], [sflag:$0x3] =	stream.indirect_vreg.gather [hbm4b:s18+s4], $0x80, v2, vm0, $0xb8;
	[tilespmem:$0x1C000] =	vst v63  }
0x9d: {  	s1 =	simm.s32 $0x1A000  }
0x9e: {  	[tilespmem:s1], [sflag:$0x3] =	stream.indirect_vreg.gather [hbm4b:s19+s4], $0x80, v2, vm0, $0xb8;
	[tilespmem:$0x1C000] =	vst v63  }
0x9f: {  	s3 =	simm.s32 $0x1A800  }
0xa0: {  	[tilespmem:s3], [sflag:$0x3] =	stream.indirect_vreg.gather [hbm4b:s20+s4], $0x80, v2, vm0, $0xb8;
	[tilespmem:$0x1C000] =	vst v63  }
0xa1: {  	s23 =	simm.s32 $0x1B000  }
0xa2: {  	[tilespmem:s23], [sflag:$0x3] =	stream.indirect_vreg.gather [hbm4b:s21+s4], $0x80, v2, vm0, $0xb8;
	[tilespmem:$0x1C000] =	vst v63  }
0xa3: {  	s31 =	simm.s32 $0x0;
	s24 =	simm.s32 $0x1B800  }
0xa4: {  	[tilespmem:s24], [sflag:$0x3] =	stream.indirect_vreg.gather [hbm4b:s22+s4], $0x80, v2, vm0, $0xb8;
	[tilespmem:$0x1C000] =	vst v63  }
0xa5: {  	s30 =	simm.s32 $0x14000;
	s29 =	rddreg [dreg:$0x7];
	s24 =	simm.s32 $0x0  }
.LBB2_2:
0xa6: {  	s0 =	sadd.s32 $0xFFFF0000, s29;
	s1 =	simm.s32 $0x1  }
0xa7: {  	s0 =	sand.u32 $0xFF0000, s0;
	_ =	swait.ge [sflag:s1], $0x8000  }
0xa8: {  	s3 =	sand.u32 $0x200, s24;
	s0 =	sadd.s32 s14, s0;
	[sflag:s1] =	ssyncset.done $0x0  }
0xa9: {  	s0 =	sor.u32 s3, s0;
	[sflag:s1] =	ssyncadd.s32 $0xFFFF8000  }
0xaa: {  	s0 =	sshrl.u32 s0, $0x3;
	s23 =	rddreg [dreg:$0x2]  }
0xab: {  	s1 =	simm.s32 $0x4;
	s0 =	sadd.s32 s23, s0  }
0xac: {  	[hbm4b:s0+s25] =	stream.strided.scatter [tilespmem:s2], [sflag:$0x4], $0x8000, s26, s25, $0x38;
	[tilespmem:$0x1C000] =	vst v63  }
0xad: {  	_ =	swait.ge [sflag:s1], $0x8000  }
0xae: {  	[sflag:s1] =	ssyncset.done $0x0  }
0xaf: {  	s0 =	sshra.s32 s31, $0x2;
	[sflag:s1] =	ssyncadd.s32 $0xFFFF8000  }
0xb0: {  	v2 =	vld.msk [tilespmem:s0+$0x180], $0xf;
	_ =	sdelay $0x4  }
0xb1: {  	v3 =	vshll.u32 v2, $0x6  }
0xb2: {  	v2 =	vand.u32 $0x7, v2;
	v3 =	vand.u32 $0xFFFFFE00, v3  }
0xb3: {  	v2 =	vor.u32 v2, v3  }
0xb4: {  	v2 =	vperm.xlane v2, v0;
	_ =	sdelay $0x1  }
0xb5: {  	v2 =	vadd.s32 v1, v2;
	_ =	sdelay $0x4  }
0xb6: {  	[tilespmem:s2], [sflag:$0x1] =	stream.indirect_vreg.gather [hbm4b:s5+s4], $0x80, v2, vm0, $0xb8;
	[tilespmem:$0x1C000] =	vst v63  }
0xb7: {  	s2 =	simm.s32 $0x4800  }
0xb8: {  	[tilespmem:s2], [sflag:$0x1] =	stream.indirect_vreg.gather [hbm4b:s7+s4], $0x80, v2, vm0, $0xb8;
	[tilespmem:$0x1C000] =	vst v63  }
0xb9: {  	s2 =	simm.s32 $0x5000  }
0xba: {  	[tilespmem:s2], [sflag:$0x1] =	stream.indirect_vreg.gather [hbm4b:s8+s4], $0x80, v2, vm0, $0xb8;
	[tilespmem:$0x1C000] =	vst v63  }
0xbb: {  	s2 =	simm.s32 $0x5800  }
0xbc: {  	[tilespmem:s2], [sflag:$0x1] =	stream.indirect_vreg.gather [hbm4b:s9+s4], $0x80, v2, vm0, $0xb8;
	[tilespmem:$0x1C000] =	vst v63  }
0xbd: {  	s2 =	simm.s32 $0x6000  }
0xbe: {  	[tilespmem:s2], [sflag:$0x1] =	stream.indirect_vreg.gather [hbm4b:s10+s4], $0x80, v2, vm0, $0xb8;
	[tilespmem:$0x1C000] =	vst v63  }
0xbf: {  	s2 =	simm.s32 $0x6800  }
0xc0: {  	[tilespmem:s2], [sflag:$0x1] =	stream.indirect_vreg.gather [hbm4b:s11+s4], $0x80, v2, vm0, $0xb8;
	[tilespmem:$0x1C000] =	vst v63  }
0xc1: {  	s2 =	simm.s32 $0x7000  }
0xc2: {  	[tilespmem:s2], [sflag:$0x1] =	stream.indirect_vreg.gather [hbm4b:s12+s4], $0x80, v2, vm0, $0xb8;
	[tilespmem:$0x1C000] =	vst v63  }
0xc3: {  	s2 =	simm.s32 $0x7800  }
0xc4: {  	[tilespmem:s2], [sflag:$0x1] =	stream.indirect_vreg.gather [hbm4b:s13+s4], $0x80, v2, vm0, $0xb8;
	[tilespmem:$0x1C000] =	vst v63  }
0xc5: {  	s2 =	simm.s32 $0x8000  }
0xc6: {  	[tilespmem:s2], [sflag:$0x1] =	stream.indirect_vreg.gather [hbm4b:s15+s4], $0x80, v2, vm0, $0xb8;
	[tilespmem:$0x1C000] =	vst v63  }
0xc7: {  	s2 =	simm.s32 $0x8800  }
0xc8: {  	[tilespmem:s2], [sflag:$0x1] =	stream.indirect_vreg.gather [hbm4b:s16+s4], $0x80, v2, vm0, $0xb8;
	[tilespmem:$0x1C000] =	vst v63  }
0xc9: {  	s2 =	simm.s32 $0x9000  }
0xca: {  	[tilespmem:s2], [sflag:$0x1] =	stream.indirect_vreg.gather [hbm4b:s17+s4], $0x80, v2, vm0, $0xb8;
	[tilespmem:$0x1C000] =	vst v63  }
0xcb: {  	s2 =	simm.s32 $0x9800  }
0xcc: {  	[tilespmem:s2], [sflag:$0x1] =	stream.indirect_vreg.gather [hbm4b:s18+s4], $0x80, v2, vm0, $0xb8;
	[tilespmem:$0x1C000] =	vst v63  }
0xcd: {  	s2 =	simm.s32 $0xA000  }
0xce: {  	[tilespmem:s2], [sflag:$0x1] =	stream.indirect_vreg.gather [hbm4b:s19+s4], $0x80, v2, vm0, $0xb8;
	[tilespmem:$0x1C000] =	vst v63  }
0xcf: {  	s2 =	simm.s32 $0xA800  }
0xd0: {  	[tilespmem:s2], [sflag:$0x1] =	stream.indirect_vreg.gather [hbm4b:s20+s4], $0x80, v2, vm0, $0xb8;
	[tilespmem:$0x1C000] =	vst v63  }
0xd1: {  	s2 =	simm.s32 $0xB000  }
0xd2: {  	[tilespmem:s2], [sflag:$0x1] =	stream.indirect_vreg.gather [hbm4b:s21+s4], $0x80, v2, vm0, $0xb8;
	[tilespmem:$0x1C000] =	vst v63  }
0xd3: {  	s1 =	sadd.s32 $0xFFFF8000, s29;
	s2 =	simm.s32 $0xB800  }
0xd4: {  	[tilespmem:s2], [sflag:$0x1] =	stream.indirect_vreg.gather [hbm4b:s22+s4], $0x80, v2, vm0, $0xb8;
	[tilespmem:$0x1C000] =	vst v63  }
0xd5: {  	s2 =	sand.u32 $0x1FF0000, s1;
	s1 =	smov.u32 s5;
	s5 =	sxor.u32 $0xFFFFFFFF, s31  }
0xd6: {  	s2 =	sadd.s32 s14, s2;
	s5 =	sand.u32 $0x200, s5  }
0xd7: {  	_ =	swait.ge [sflag:s28], $0x8000;
	s2 =	sor.u32 s5, s2  }
0xd8: {  	s5 =	smov.u32 s1;
	[sflag:s28] =	ssyncset.done $0x0;
	s2 =	sshrl.u32 s2, $0x3  }
0xd9: {  	s1 =	simm.s32 $0xC000;
	[sflag:s28] =	ssyncadd.s32 $0xFFFF8000;
	s2 =	sadd.s32 s23, s2  }
0xda: {  	[hbm4b:s2+s25] =	stream.strided.scatter [tilespmem:s1], [sflag:$0x5], $0x8000, s26, s25, $0x38;
	[tilespmem:$0x1C000] =	vst v63  }
0xdb: {  	_ =	swait.ge [sflag:s6], $0x8000  }
0xdc: {  	[sflag:s6] =	ssyncset.done $0x0  }
0xdd: {  	[sflag:s6] =	ssyncadd.s32 $0xFFFF8000  }
0xde: {  	v2 =	vld.msk [tilespmem:s0+$0x200], $0xf;
	_ =	sdelay $0x4  }
0xdf: {  	v3 =	vshll.u32 v2, $0x6  }
0xe0: {  	v2 =	vand.u32 $0x7, v2;
	v3 =	vand.u32 $0xFFFFFE00, v3  }
0xe1: {  	v2 =	vor.u32 v2, v3  }
0xe2: {  	v2 =	vperm.xlane v2, v0;
	_ =	sdelay $0x1  }
0xe3: {  	v2 =	vadd.s32 v1, v2;
	_ =	sdelay $0x4  }
0xe4: {  	[tilespmem:s1], [sflag:$0x2] =	stream.indirect_vreg.gather [hbm4b:s5+s4], $0x80, v2, vm0, $0xb8;
	[tilespmem:$0x1C000] =	vst v63  }
0xe5: {  	s2 =	simm.s32 $0xC800  }
0xe6: {  	[tilespmem:s2], [sflag:$0x2] =	stream.indirect_vreg.gather [hbm4b:s7+s4], $0x80, v2, vm0, $0xb8;
	[tilespmem:$0x1C000] =	vst v63  }
0xe7: {  	s2 =	simm.s32 $0xD000  }
0xe8: {  	[tilespmem:s2], [sflag:$0x2] =	stream.indirect_vreg.gather [hbm4b:s8+s4], $0x80, v2, vm0, $0xb8;
	[tilespmem:$0x1C000] =	vst v63  }
0xe9: {  	s2 =	simm.s32 $0xD800  }
0xea: {  	[tilespmem:s2], [sflag:$0x2] =	stream.indirect_vreg.gather [hbm4b:s9+s4], $0x80, v2, vm0, $0xb8;
	[tilespmem:$0x1C000] =	vst v63  }
0xeb: {  	s2 =	simm.s32 $0xE000  }
0xec: {  	[tilespmem:s2], [sflag:$0x2] =	stream.indirect_vreg.gather [hbm4b:s10+s4], $0x80, v2, vm0, $0xb8;
	[tilespmem:$0x1C000] =	vst v63  }
0xed: {  	s2 =	simm.s32 $0xE800  }
0xee: {  	[tilespmem:s2], [sflag:$0x2] =	stream.indirect_vreg.gather [hbm4b:s11+s4], $0x80, v2, vm0, $0xb8;
	[tilespmem:$0x1C000] =	vst v63  }
0xef: {  	s2 =	simm.s32 $0xF000  }
0xf0: {  	[tilespmem:s2], [sflag:$0x2] =	stream.indirect_vreg.gather [hbm4b:s12+s4], $0x80, v2, vm0, $0xb8;
	[tilespmem:$0x1C000] =	vst v63  }
0xf1: {  	s2 =	simm.s32 $0xF800  }
0xf2: {  	[tilespmem:s2], [sflag:$0x2] =	stream.indirect_vreg.gather [hbm4b:s13+s4], $0x80, v2, vm0, $0xb8;
	[tilespmem:$0x1C000] =	vst v63  }
0xf3: {  	s2 =	simm.s32 $0x10000  }
0xf4: {  	[tilespmem:s2], [sflag:$0x2] =	stream.indirect_vreg.gather [hbm4b:s15+s4], $0x80, v2, vm0, $0xb8;
	[tilespmem:$0x1C000] =	vst v63  }
0xf5: {  	s2 =	simm.s32 $0x10800  }
0xf6: {  	[tilespmem:s2], [sflag:$0x2] =	stream.indirect_vreg.gather [hbm4b:s16+s4], $0x80, v2, vm0, $0xb8;
	[tilespmem:$0x1C000] =	vst v63  }
0xf7: {  	s2 =	simm.s32 $0x11000  }
0xf8: {  	[tilespmem:s2], [sflag:$0x2] =	stream.indirect_vreg.gather [hbm4b:s17+s4], $0x80, v2, vm0, $0xb8;
	[tilespmem:$0x1C000] =	vst v63  }
0xf9: {  	s2 =	simm.s32 $0x11800  }
0xfa: {  	[tilespmem:s2], [sflag:$0x2] =	stream.indirect_vreg.gather [hbm4b:s18+s4], $0x80, v2, vm0, $0xb8;
	[tilespmem:$0x1C000] =	vst v63  }
0xfb: {  	s2 =	simm.s32 $0x12000  }
0xfc: {  	[tilespmem:s2], [sflag:$0x2] =	stream.indirect_vreg.gather [hbm4b:s19+s4], $0x80, v2, vm0, $0xb8;
	[tilespmem:$0x1C000] =	vst v63  }
0xfd: {  	s2 =	simm.s32 $0x12800  }
0xfe: {  	[tilespmem:s2], [sflag:$0x2] =	stream.indirect_vreg.gather [hbm4b:s20+s4], $0x80, v2, vm0, $0xb8;
	[tilespmem:$0x1C000] =	vst v63  }
0xff: {  	s2 =	simm.s32 $0x13000  }
0x100: {  	[tilespmem:s2], [sflag:$0x2] =	stream.indirect_vreg.gather [hbm4b:s21+s4], $0x80, v2, vm0, $0xb8;
	[tilespmem:$0x1C000] =	vst v63  }
0x101: {  	s2 =	simm.s32 $0x13800  }
0x102: {  	[tilespmem:s2], [sflag:$0x2] =	stream.indirect_vreg.gather [hbm4b:s22+s4], $0x80, v2, vm0, $0xb8;
	[tilespmem:$0x1C000] =	vst v63  }
0x103: {  	s2 =	sand.u32 $0x1FF0000, s29  }
0x104: {  	p0 =	seq.s32 s24, $0x5200;
	s2 =	sadd.s32 s14, s2  }
.Ltmp2:
0x105: {  	s2 =	sor.u32 s3, s2;
	s3 =	simm.s32 $0x3;
	(pc) =	sbr.rel @p0 .LBB2_4-.Ltmp2, $4  }
0x106: {  	_ =	swait.ge [sflag:s3], $0x8000  }
0x107: {  	s2 =	sshrl.u32 s2, $0x3;
	[sflag:s3] =	ssyncset.done $0x0  }
0x108: {  	s2 =	sadd.s32 s23, s2;
	[sflag:s3] =	ssyncadd.s32 $0xFFFF8000;
	s3 =	simm.s32 $0x14000  }
0x109: {  	[hbm4b:s2+s25] =	stream.strided.scatter [tilespmem:s30], [sflag:$0x6], $0x8000, s26, s25, $0x38;
	[tilespmem:$0x1C000] =	vst v63  }
0x10a: {  	s1 =	simm.s32 $0x6  }
0x10b: {  	_ =	swait.ge [sflag:s1], $0x8000  }
0x10c: {  	[sflag:s1] =	ssyncset.done $0x0  }
0x10d: {  	[sflag:s1] =	ssyncadd.s32 $0xFFFF8000  }
0x10e: {  	v2 =	vld.msk [tilespmem:s0+$0x280], $0xf;
	_ =	sdelay $0x4  }
0x10f: {  	v3 =	vshll.u32 v2, $0x6  }
0x110: {  	v2 =	vand.u32 $0x7, v2;
	v3 =	vand.u32 $0xFFFFFE00, v3  }
0x111: {  	v2 =	vor.u32 v2, v3  }
0x112: {  	v2 =	vperm.xlane v2, v0;
	_ =	sdelay $0x1  }
0x113: {  	v2 =	vadd.s32 v1, v2;
	_ =	sdelay $0x4  }
0x114: {  	[tilespmem:s3], [sflag:$0x3] =	stream.indirect_vreg.gather [hbm4b:s5+s4], $0x80, v2, vm0, $0xb8;
	[tilespmem:$0x1C000] =	vst v63  }
0x115: {  	s2 =	simm.s32 $0x14800  }
0x116: {  	[tilespmem:s2], [sflag:$0x3] =	stream.indirect_vreg.gather [hbm4b:s7+s4], $0x80, v2, vm0, $0xb8;
	[tilespmem:$0x1C000] =	vst v63  }
0x117: {  	s3 =	simm.s32 $0x15000  }
0x118: {  	[tilespmem:s3], [sflag:$0x3] =	stream.indirect_vreg.gather [hbm4b:s8+s4], $0x80, v2, vm0, $0xb8;
	[tilespmem:$0x1C000] =	vst v63  }
0x119: {  	s23 =	simm.s32 $0x15800  }
0x11a: {  	[tilespmem:s23], [sflag:$0x3] =	stream.indirect_vreg.gather [hbm4b:s9+s4], $0x80, v2, vm0, $0xb8;
	[tilespmem:$0x1C000] =	vst v63  }
0x11b: {  	s1 =	simm.s32 $0x16000  }
0x11c: {  	[tilespmem:s1], [sflag:$0x3] =	stream.indirect_vreg.gather [hbm4b:s10+s4], $0x80, v2, vm0, $0xb8;
	[tilespmem:$0x1C000] =	vst v63  }
0x11d: {  	s2 =	simm.s32 $0x16800  }
0x11e: {  	[tilespmem:s2], [sflag:$0x3] =	stream.indirect_vreg.gather [hbm4b:s11+s4], $0x80, v2, vm0, $0xb8;
	[tilespmem:$0x1C000] =	vst v63  }
0x11f: {  	s3 =	simm.s32 $0x17000  }
0x120: {  	[tilespmem:s3], [sflag:$0x3] =	stream.indirect_vreg.gather [hbm4b:s12+s4], $0x80, v2, vm0, $0xb8;
	[tilespmem:$0x1C000] =	vst v63  }
0x121: {  	s23 =	simm.s32 $0x17800  }
0x122: {  	[tilespmem:s23], [sflag:$0x3] =	stream.indirect_vreg.gather [hbm4b:s13+s4], $0x80, v2, vm0, $0xb8;
	[tilespmem:$0x1C000] =	vst v63  }
0x123: {  	s1 =	simm.s32 $0x18000  }
0x124: {  	[tilespmem:s1], [sflag:$0x3] =	stream.indirect_vreg.gather [hbm4b:s15+s4], $0x80, v2, vm0, $0xb8;
	[tilespmem:$0x1C000] =	vst v63  }
0x125: {  	s2 =	simm.s32 $0x18800  }
0x126: {  	[tilespmem:s2], [sflag:$0x3] =	stream.indirect_vreg.gather [hbm4b:s16+s4], $0x80, v2, vm0, $0xb8;
	[tilespmem:$0x1C000] =	vst v63  }
0x127: {  	s3 =	simm.s32 $0x19000  }
0x128: {  	[tilespmem:s3], [sflag:$0x3] =	stream.indirect_vreg.gather [hbm4b:s17+s4], $0x80, v2, vm0, $0xb8;
	[tilespmem:$0x1C000] =	vst v63  }
0x129: {  	s23 =	simm.s32 $0x19800  }
0x12a: {  	[tilespmem:s23], [sflag:$0x3] =	stream.indirect_vreg.gather [hbm4b:s18+s4], $0x80, v2, vm0, $0xb8;
	[tilespmem:$0x1C000] =	vst v63  }
0x12b: {  	s1 =	simm.s32 $0x1A000  }
0x12c: {  	[tilespmem:s1], [sflag:$0x3] =	stream.indirect_vreg.gather [hbm4b:s19+s4], $0x80, v2, vm0, $0xb8;
	[tilespmem:$0x1C000] =	vst v63  }
0x12d: {  	s2 =	simm.s32 $0x1A800  }
0x12e: {  	[tilespmem:s2], [sflag:$0x3] =	stream.indirect_vreg.gather [hbm4b:s20+s4], $0x80, v2, vm0, $0xb8;
	[tilespmem:$0x1C000] =	vst v63  }
.Ltmp3:
0x12f: {  	s24 =	sadd.s32 $0x200, s24;
	(pc) =	sbr.rel .LBB2_2-.Ltmp3, $4  }
0x130: {  	s29 =	sadd.s32 $0x18000, s29;
	s31 =	sadd.s32 $0x600, s31;
	s3 =	simm.s32 $0x1B000  }
0x131: {  	[tilespmem:s3], [sflag:$0x3] =	stream.indirect_vreg.gather [hbm4b:s21+s4], $0x80, v2, vm0, $0xb8;
	[tilespmem:$0x1C000] =	vst v63  }
0x132: {  	s30 =	simm.s32 $0x14000;
	s23 =	simm.s32 $0x1B800;
	s2 =	simm.s32 $0x4000  }
0x133: {  	[tilespmem:s23], [sflag:$0x3] =	stream.indirect_vreg.gather [hbm4b:s22+s4], $0x80, v2, vm0, $0xb8;
	[tilespmem:$0x1C000] =	vst v63  }
.LBB2_5:
0x134: {  	_ =	sfence.sel $0x180000  }
0x135: {  	[bflag:$0x0] =	sbarrier.arrive $0xFFFF  }
0x136: {  	_ =	strace $0x90000047  }
0x137: {  	s0 =	stileid.u32;
	[bflag:$0x2] =	sbarrier.arrive $0xFFFF  }
0x138: {  	p0 =	sne.s32 s0, $0x0;
	s0 =	rddreg [dreg:$0x3]  }
0x139: {  	s0 =	sadd.s32 @!p0 $0x100000, s0  }
0x13a: {  	[sflag:s0] =	ssyncadd.tile.s32 @!p0 $0x1;
	_ =	shalt  }
.Lfunc_end2:
_tile_overlayer_lowered:
.L_overlay_start_2:
0x13b: {  	(tag) =	ssettag $0x2  }
0x13c: {  	s0 =	rddreg [dreg:$0x0];
	s2 =	stileid.u32  }
0x13d: {  	s1 =	rddreg [dreg:$0x1];
	p0 =	sne.s32 s2, $0x0  }
0x13e: {  	s3 =	rddreg [dreg:$0x2];
	[bflag:$0x3] =	sbarrier.arrive $0xFFFF;
	s2 =	simm.s32 @!p0 $0x1C07  }
0x13f: {  	[timem:s3], [sflag:s2] =	dma.local @!p0 [hbm:s0], s1  }
0x140: {  	s0 =	simm.s32 @!p0 $0x7  }
0x141: {  	_ =	swait.ge @!p0 [sflag:s0], s1  }
0x142: {  	s1 =	ssub.s32 @!p0 $0x0, s1;
	[sflag:s0] =	ssyncset.done @!p0 $0x0  }
0x143: {  	[sflag:s0] =	ssyncadd.s32 @!p0 s1  }
0x144: {  	[bflag:$0x3] =	sbarrier.arrive $0xFFFF  }
0x145: {  	_ =	shalt  }

</sc_bundles>
